<compile_context>
chip_gen: v7x
topology: tpu7x:2x2x1
jax: 0.10.2.dev20260603
libtpu: 0.0.44.dev20260713+nightly
codegen_flags: <defaults>
</compile_context>

<pallas_src>
import functools

import jax
import jax.numpy as jnp
from jax import lax
from jax.experimental import pallas as pl
from jax.experimental.pallas import tpu as pltpu
from jax.experimental.pallas import tpu_sc as plsc

_NC = 2
_NS = 16
_NW = _NC * _NS
_L = 16
_D = 128

_E_TOTAL = 320000
_E_PER_W = _E_TOTAL // _NW
_C = 64
_N_CHUNKS = -(-_E_PER_W // _C)
_E_PAD = _N_CHUNKS * _C
_IDX_PAD = _E_PAD - _E_PER_W


def _compute_chunk(c, srows, drows, obuf):

    lane = lax.iota(jnp.int32, _L)

    def grp_body(g, carry):
        rows = g * _L + lane

        def d_body(d, acc):
            cols = jnp.bitwise_and(lane + d, _D - 1)
            s = plsc.load_gather(srows, [rows, cols])
            t = plsc.load_gather(drows, [rows, cols])
            return acc + s * t

        acc = lax.fori_loop(0, _D, d_body, jnp.zeros((_L,), jnp.float32),
                            unroll=8)
        obuf[pl.ds(c * _C + g * _L, _L)] = acc
        return carry

    lax.fori_loop(0, _C // _L, grp_body, 0)


def _dot_body(table, sidx_hbm, didx_hbm, out_hbm,
              si_a, di_a, si_b, di_b, sr_a, dr_a, sr_b, dr_b, obuf, tbl_sh,
              semi_a, semi_b, semr_a, semr_b):
    sid = lax.axis_index("s")
    wid = sid * _NC + lax.axis_index("c")

    n_nodes = table.shape[0]
    rows_per_sub = (n_nodes // _NS) // 8 * 8
    pltpu.sync_copy(table.at[pl.ds(sid * rows_per_sub, rows_per_sub)],
                    tbl_sh.at[pl.ds(sid * rows_per_sub, rows_per_sub)])
    tail = n_nodes - _NS * rows_per_sub
    if tail:
        @pl.when(sid == _NS - 1)
        def _copy_tail():
            pltpu.sync_copy(table.at[pl.ds(_NS * rows_per_sub, tail)],
                            tbl_sh.at[pl.ds(_NS * rows_per_sub, tail)])

    def fire_idx(c, si, di, sem):
        base = wid * _E_PER_W + c * _C
        pltpu.async_copy(sidx_hbm.at[pl.ds(base, _C)], si, sem)
        pltpu.async_copy(didx_hbm.at[pl.ds(base, _C)], di, sem)

    def wait_idx(si, di, sem):
        pltpu.make_async_copy(sidx_hbm.at[pl.ds(0, _C)], si, sem).wait()
        pltpu.make_async_copy(didx_hbm.at[pl.ds(0, _C)], di, sem).wait()

    def fire_rows(si, di, sr, dr, sem):
        pltpu.async_copy(tbl_sh.at[si], sr, sem)
        pltpu.async_copy(tbl_sh.at[di], dr, sem)

    def wait_rows(si, di, sr, dr, sem):
        pltpu.make_async_copy(tbl_sh.at[si], sr, sem).wait()
        pltpu.make_async_copy(tbl_sh.at[di], dr, sem).wait()

    fire_idx(0, si_a, di_a, semi_a)
    fire_idx(1, si_b, di_b, semi_b)
    plsc.subcore_barrier()
    wait_idx(si_a, di_a, semi_a)
    fire_rows(si_a, di_a, sr_a, dr_a, semr_a)

    def pair_body(i, carry):
        c0 = 2 * i
        c1 = c0 + 1
        wait_idx(si_b, di_b, semi_b)
        fire_rows(si_b, di_b, sr_b, dr_b, semr_b)
        wait_rows(si_a, di_a, sr_a, dr_a, semr_a)
        _compute_chunk(c0, sr_a, dr_a, obuf)
        fire_idx(c0 + 2, si_a, di_a, semi_a)
        wait_rows(si_b, di_b, sr_b, dr_b, semr_b)
        _compute_chunk(c1, sr_b, dr_b, obuf)

        @pl.when(c1 + 2 < _N_CHUNKS)
        def _prefetch_odd():
            fire_idx(c1 + 2, si_b, di_b, semi_b)

        wait_idx(si_a, di_a, semi_a)
        fire_rows(si_a, di_a, sr_a, dr_a, semr_a)
        return carry

    lax.fori_loop(0, (_N_CHUNKS - 1) // 2, pair_body, 0)
    last = _N_CHUNKS - 1
    wait_rows(si_a, di_a, sr_a, dr_a, semr_a)
    _compute_chunk(last, sr_a, dr_a, obuf)

    pltpu.sync_copy(obuf.at[pl.ds(0, _E_PER_W)],
                    out_hbm.at[pl.ds(wid * _E_PER_W, _E_PER_W)])


@jax.jit
def _run(features, src_idx, dst_idx):
    mesh = plsc.VectorSubcoreMesh(core_axis_name="c", subcore_axis_name="s")
    f = functools.partial(
        pl.kernel,
        mesh=mesh,
        compiler_params=pltpu.CompilerParams(needs_layout_passes=False),
        out_type=jax.ShapeDtypeStruct((_E_TOTAL,), jnp.float32),
        scratch_types=[
            pltpu.VMEM((_C,), jnp.int32),
            pltpu.VMEM((_C,), jnp.int32),
            pltpu.VMEM((_C,), jnp.int32),
            pltpu.VMEM((_C,), jnp.int32),
            pltpu.VMEM((_C, _D), jnp.float32),
            pltpu.VMEM((_C, _D), jnp.float32),
            pltpu.VMEM((_C, _D), jnp.float32),
            pltpu.VMEM((_C, _D), jnp.float32),
            pltpu.VMEM((_E_PAD,), jnp.float32),
            pltpu.VMEM_SHARED(features.shape, jnp.float32),
            pltpu.SemaphoreType.DMA,
            pltpu.SemaphoreType.DMA,
            pltpu.SemaphoreType.DMA,
            pltpu.SemaphoreType.DMA,
        ],
    )(_dot_body)
    return f(features, src_idx, dst_idx)


def kernel(features, graph, pos_edge, neg_edge):
    edge = jnp.concatenate([pos_edge, neg_edge], axis=-1)
    edge = jnp.pad(edge, ((0, 0), (0, _IDX_PAD)))
    return _run(features, edge[0], edge[1])

# --- scband reference (transcript-rebuilt; emitter-appended) ---
"""Pipeline reference for scband-dot-product-link-prediction-decoder-59133109731935 (READ-ONLY COPY).

The authoritative reference and input builder live on the scoring server;
editing this copy changes nothing except your own understanding.
"""

import jax, jax.numpy as jnp
import numpy as np

N_NODES = 10000
D_FEAT = 128
E_POS = 160000
E_NEG = 160000


def setup_inputs(seed: int = 0) -> dict:
    key = jax.random.key(seed)
    k1, k2, k3 = jax.random.split(key, 3)
    features = jax.random.normal(k1, (N_NODES, D_FEAT), dtype=jnp.float32)
    pos_edge = jax.random.randint(k2, (2, E_POS), 0, N_NODES, dtype=jnp.int32)
    neg_edge = jax.random.randint(k3, (2, E_NEG), 0, N_NODES, dtype=jnp.int32)
    # graph (DGLGraph) is unused by the module's forward; pass a placeholder
    return {"features": features, "graph": 0, "pos_edge": pos_edge, "neg_edge": neg_edge}


def reference(features, graph, pos_edge, neg_edge):
    # features corresponds to features[-1] (the last layer's node embeddings)
    z = features
    edge_index = jnp.concatenate([pos_edge, neg_edge], axis=-1)  # [2, E_pos + E_neg]
    src = jnp.take(z, edge_index[0], axis=0)  # gather [E, D]
    dst = jnp.take(z, edge_index[1], axis=0)  # gather [E, D]
    return (src * dst).sum(axis=-1)  # [E]

if __name__ == "__main__":
    import jax
    _d = setup_inputs()
    print(jax.jit(kernel)(*tuple(_d.values())))

</pallas_src>

<mosaic_0001>
#map = affine_map<(d0, d1) -> (0, 0)>
#map1 = affine_map<(d0, d1) -> (0)>
module attributes {stable_mosaic.version = 14 : i64} {
  func.func @_dot_body(%arg0: i32, %arg1: i32, %arg2: memref<10000x128xf32, #tpu.memory_space<hbm>>, %arg3: memref<320048xi32, #tpu.memory_space<hbm>>, %arg4: memref<320048xi32, #tpu.memory_space<hbm>>, %arg5: memref<320000xf32, #tpu.memory_space<hbm>>, %arg6: memref<64xi32, #tpu.memory_space<vmem>>, %arg7: memref<64xi32, #tpu.memory_space<vmem>>, %arg8: memref<64xi32, #tpu.memory_space<vmem>>, %arg9: memref<64xi32, #tpu.memory_space<vmem>>, %arg10: memref<64x128xf32, #tpu.memory_space<vmem>>, %arg11: memref<64x128xf32, #tpu.memory_space<vmem>>, %arg12: memref<64x128xf32, #tpu.memory_space<vmem>>, %arg13: memref<64x128xf32, #tpu.memory_space<vmem>>, %arg14: memref<10048xf32, #tpu.memory_space<vmem>>, %arg15: memref<10000x128xf32, #tpu.memory_space<vmem_shared>>, %arg16: memref<!tpu.dma_semaphore, #tpu.memory_space<semaphore_mem>>, %arg17: memref<!tpu.dma_semaphore, #tpu.memory_space<semaphore_mem>>, %arg18: memref<!tpu.dma_semaphore, #tpu.memory_space<semaphore_mem>>, %arg19: memref<!tpu.dma_semaphore, #tpu.memory_space<semaphore_mem>>) attributes {dimension_semantics = [#tpu.dimension_semantics<core_parallel>, #tpu.dimension_semantics<subcore_parallel>], iteration_bounds = array<i64: 2, 16>, scalar_prefetch = 0 : i64, scratch_operands = 14 : i64, tpu.core_type = #tpu.core_type<sc_vector_subcore>, window_params = [{transform_indices = #map}, {transform_indices = #map1}, {transform_indices = #map1}, {transform_indices = #map1}]} {
    %mul3A = arith.constant 2 : i32
    %mul3A_0 = arith.muli %arg1, %mul3A : i32
    %add3A = arith.addi %mul3A_0, %arg0 : i32
    %mul3A_1 = arith.constant 624 : i32
    %mul3A_2 = arith.muli %arg1, %mul3A_1 : i32
    %mul3A_3 = arith.constant 624 : i32
    %mul3A_4 = arith.muli %arg1, %mul3A_3 : i32
    "tpu.region"() ({
      %run_scoped3A = tpu.sem_alloc : memref<!tpu.dma_semaphore, #tpu.memory_space<semaphore_mem>>
      %dma_start3A_54 = arith.constant 0 : i32
      %dma_start3A_55 = tpu.memref_slice %arg15[%mul3A_4, %dma_start3A_54] : memref<10000x128xf32, #tpu.memory_space<vmem_shared>> -> memref<624x128xf32, #tpu.memory_space<vmem_shared>>
      %dma_start3A_56 = arith.constant 0 : i32
      %dma_start3A_57 = tpu.memref_slice %arg2[%mul3A_2, %dma_start3A_56] : memref<10000x128xf32, #tpu.memory_space<hbm>> -> memref<624x128xf32, #tpu.memory_space<hbm>>
      tpu.enqueue_dma source(%dma_start3A_57 : memref<624x128xf32, #tpu.memory_space<hbm>>) target(%dma_start3A_55 : memref<624x128xf32, #tpu.memory_space<vmem_shared>>) target_semaphore(%run_scoped3A : memref<!tpu.dma_semaphore, #tpu.memory_space<semaphore_mem>>)
      %dma_wait3A_58 = arith.constant 0 : i32
      %dma_wait3A_59 = tpu.memref_slice %arg15[%mul3A_4, %dma_wait3A_58] : memref<10000x128xf32, #tpu.memory_space<vmem_shared>> -> memref<624x128xf32, #tpu.memory_space<vmem_shared>>
      %dma_wait3A_60 = arith.constant 0 : i32
      %dma_wait3A_61 = tpu.memref_slice %arg2[%mul3A_2, %dma_wait3A_60] : memref<10000x128xf32, #tpu.memory_space<hbm>> -> memref<624x128xf32, #tpu.memory_space<hbm>>
      tpu.wait_dma2 semaphore(%run_scoped3A : memref<!tpu.dma_semaphore, #tpu.memory_space<semaphore_mem>>) src(%dma_wait3A_61 : memref<624x128xf32, #tpu.memory_space<hbm>>) dst(%dma_wait3A_59 : memref<624x128xf32, #tpu.memory_space<vmem_shared>>)
      tpu.yield
    }) : () -> ()
    %eq3A = arith.constant 15 : i32
    %eq3A_5 = arith.cmpi eq, %arg1, %eq3A : i32
    %convert_element_type3A = arith.extui %eq3A_5 : i1 to i32
    %cond3A = arith.constant 0 : i32
    %cond3A_6 = arith.cmpi ne, %convert_element_type3A, %cond3A : i32
    scf.if %cond3A_6 {
      "tpu.region"() ({
        %run_scoped3A = tpu.sem_alloc : memref<!tpu.dma_semaphore, #tpu.memory_space<semaphore_mem>>
        %dma_start3A_54 = arith.constant 9984 : i32
        %dma_start3A_55 = arith.constant 0 : i32
        %dma_start3A_56 = tpu.memref_slice %arg15[%dma_start3A_54, %dma_start3A_55] : memref<10000x128xf32, #tpu.memory_space<vmem_shared>> -> memref<16x128xf32, #tpu.memory_space<vmem_shared>>
        %dma_start3A_57 = arith.constant 9984 : i32
        %dma_start3A_58 = arith.constant 0 : i32
        %dma_start3A_59 = tpu.memref_slice %arg2[%dma_start3A_57, %dma_start3A_58] : memref<10000x128xf32, #tpu.memory_space<hbm>> -> memref<16x128xf32, #tpu.memory_space<hbm>>
        tpu.enqueue_dma source(%dma_start3A_59 : memref<16x128xf32, #tpu.memory_space<hbm>>) target(%dma_start3A_56 : memref<16x128xf32, #tpu.memory_space<vmem_shared>>) target_semaphore(%run_scoped3A : memref<!tpu.dma_semaphore, #tpu.memory_space<semaphore_mem>>)
        %dma_wait3A_60 = arith.constant 9984 : i32
        %dma_wait3A_61 = arith.constant 0 : i32
        %dma_wait3A_62 = tpu.memref_slice %arg15[%dma_wait3A_60, %dma_wait3A_61] : memref<10000x128xf32, #tpu.memory_space<vmem_shared>> -> memref<16x128xf32, #tpu.memory_space<vmem_shared>>
        %dma_wait3A_63 = arith.constant 9984 : i32
        %dma_wait3A_64 = arith.constant 0 : i32
        %dma_wait3A_65 = tpu.memref_slice %arg2[%dma_wait3A_63, %dma_wait3A_64] : memref<10000x128xf32, #tpu.memory_space<hbm>> -> memref<16x128xf32, #tpu.memory_space<hbm>>
        tpu.wait_dma2 semaphore(%run_scoped3A : memref<!tpu.dma_semaphore, #tpu.memory_space<semaphore_mem>>) src(%dma_wait3A_65 : memref<16x128xf32, #tpu.memory_space<hbm>>) dst(%dma_wait3A_62 : memref<16x128xf32, #tpu.memory_space<vmem_shared>>)
        tpu.yield
      }) : () -> ()
    } else {
    }
    %mul3A_7 = arith.constant 10000 : i32
    %mul3A_8 = arith.muli %add3A, %mul3A_7 : i32
    %add3A_9 = arith.constant 0 : i32
    %add3A_10 = arith.addi %mul3A_8, %add3A_9 : i32
    %dma_start3A = tpu.memref_slice %arg3[%add3A_10] : memref<320048xi32, #tpu.memory_space<hbm>> -> memref<64xi32, #tpu.memory_space<hbm>>
    %dma_start3A_11 = tpu.memref_slice %arg3[%add3A_10] : memref<320048xi32, #tpu.memory_space<hbm>> -> memref<64xi32, #tpu.memory_space<hbm>>
    tpu.enqueue_dma source(%dma_start3A_11 : memref<64xi32, #tpu.memory_space<hbm>>) target(%arg6 : memref<64xi32, #tpu.memory_space<vmem>>) target_semaphore(%arg16 : memref<!tpu.dma_semaphore, #tpu.memory_space<semaphore_mem>>)
    %dma_start3A_12 = tpu.memref_slice %arg4[%add3A_10] : memref<320048xi32, #tpu.memory_space<hbm>> -> memref<64xi32, #tpu.memory_space<hbm>>
    %dma_start3A_13 = tpu.memref_slice %arg4[%add3A_10] : memref<320048xi32, #tpu.memory_space<hbm>> -> memref<64xi32, #tpu.memory_space<hbm>>
    tpu.enqueue_dma source(%dma_start3A_13 : memref<64xi32, #tpu.memory_space<hbm>>) target(%arg7 : memref<64xi32, #tpu.memory_space<vmem>>) target_semaphore(%arg16 : memref<!tpu.dma_semaphore, #tpu.memory_space<semaphore_mem>>)
    %mul3A_14 = arith.constant 10000 : i32
    %mul3A_15 = arith.muli %add3A, %mul3A_14 : i32
    %add3A_16 = arith.constant 64 : i32
    %add3A_17 = arith.addi %mul3A_15, %add3A_16 : i32
    %dma_start3A_18 = tpu.memref_slice %arg3[%add3A_17] : memref<320048xi32, #tpu.memory_space<hbm>> -> memref<64xi32, #tpu.memory_space<hbm>>
    %dma_start3A_19 = tpu.memref_slice %arg3[%add3A_17] : memref<320048xi32, #tpu.memory_space<hbm>> -> memref<64xi32, #tpu.memory_space<hbm>>
    tpu.enqueue_dma source(%dma_start3A_19 : memref<64xi32, #tpu.memory_space<hbm>>) target(%arg8 : memref<64xi32, #tpu.memory_space<vmem>>) target_semaphore(%arg17 : memref<!tpu.dma_semaphore, #tpu.memory_space<semaphore_mem>>)
    %dma_start3A_20 = tpu.memref_slice %arg4[%add3A_17] : memref<320048xi32, #tpu.memory_space<hbm>> -> memref<64xi32, #tpu.memory_space<hbm>>
    %dma_start3A_21 = tpu.memref_slice %arg4[%add3A_17] : memref<320048xi32, #tpu.memory_space<hbm>> -> memref<64xi32, #tpu.memory_space<hbm>>
    tpu.enqueue_dma source(%dma_start3A_21 : memref<64xi32, #tpu.memory_space<hbm>>) target(%arg9 : memref<64xi32, #tpu.memory_space<vmem>>) target_semaphore(%arg17 : memref<!tpu.dma_semaphore, #tpu.memory_space<semaphore_mem>>)
    %barrier3A = arith.constant 0 : index
    tpu.barrier barrier_id(%barrier3A)
    %dma_wait3A = arith.constant 0 : i32
    %dma_wait3A_22 = tpu.memref_slice %arg3[%dma_wait3A] : memref<320048xi32, #tpu.memory_space<hbm>> -> memref<64xi32, #tpu.memory_space<hbm>>
    %dma_wait3A_23 = arith.constant 0 : i32
    %dma_wait3A_24 = tpu.memref_slice %arg3[%dma_wait3A_23] : memref<320048xi32, #tpu.memory_space<hbm>> -> memref<64xi32, #tpu.memory_space<hbm>>
    tpu.wait_dma2 semaphore(%arg16 : memref<!tpu.dma_semaphore, #tpu.memory_space<semaphore_mem>>) src(%dma_wait3A_24 : memref<64xi32, #tpu.memory_space<hbm>>) dst(%arg6 : memref<64xi32, #tpu.memory_space<vmem>>)
    %dma_wait3A_25 = arith.constant 0 : i32
    %dma_wait3A_26 = tpu.memref_slice %arg4[%dma_wait3A_25] : memref<320048xi32, #tpu.memory_space<hbm>> -> memref<64xi32, #tpu.memory_space<hbm>>
    %dma_wait3A_27 = arith.constant 0 : i32
    %dma_wait3A_28 = tpu.memref_slice %arg4[%dma_wait3A_27] : memref<320048xi32, #tpu.memory_space<hbm>> -> memref<64xi32, #tpu.memory_space<hbm>>
    tpu.wait_dma2 semaphore(%arg16 : memref<!tpu.dma_semaphore, #tpu.memory_space<semaphore_mem>>) src(%dma_wait3A_28 : memref<64xi32, #tpu.memory_space<hbm>>) dst(%arg7 : memref<64xi32, #tpu.memory_space<vmem>>)
    %dma_start3A_29 = arith.constant 0 : i32
    %dma_start3A_30 = arith.constant 0 : i32
    %dma_start3A_31 = tpu.memref_slice %arg15[%dma_start3A_29, %dma_start3A_30] : memref<10000x128xf32, #tpu.memory_space<vmem_shared>> -> memref<10000x128xf32, #tpu.memory_space<vmem_shared>>
    tpu.enqueue_indirect_dma source(%dma_start3A_31 : memref<10000x128xf32, #tpu.memory_space<vmem_shared>>) target(%arg10 : memref<64x128xf32, #tpu.memory_space<vmem>>) offsets(%arg6 : memref<64xi32, #tpu.memory_space<vmem>>) semaphore(%arg18 : memref<!tpu.dma_semaphore, #tpu.memory_space<semaphore_mem>>)
    %dma_start3A_32 = arith.constant 0 : i32
    %dma_start3A_33 = arith.constant 0 : i32
    %dma_start3A_34 = tpu.memref_slice %arg15[%dma_start3A_32, %dma_start3A_33] : memref<10000x128xf32, #tpu.memory_space<vmem_shared>> -> memref<10000x128xf32, #tpu.memory_space<vmem_shared>>
    tpu.enqueue_indirect_dma source(%dma_start3A_34 : memref<10000x128xf32, #tpu.memory_space<vmem_shared>>) target(%arg11 : memref<64x128xf32, #tpu.memory_space<vmem>>) offsets(%arg7 : memref<64xi32, #tpu.memory_space<vmem>>) semaphore(%arg18 : memref<!tpu.dma_semaphore, #tpu.memory_space<semaphore_mem>>)
    %scan3A = arith.constant 0 : i32
    %scan3A_35 = arith.constant 0 : i32
    %scan3A_36 = arith.constant 78 : i32
    %scan3A_37 = arith.addi %scan3A_35, %scan3A_36 : i32
    %scan3A_38 = arith.constant 1 : i32
    scf.for %scan3A_54 = %scan3A_35 to %scan3A_37 step %scan3A_38  : i32 {
      %mul3A_55 = arith.constant 2 : i32
      %mul3A_56 = arith.muli %mul3A_55, %scan3A_54 : i32
      %add3A_57 = arith.constant 1 : i32
      %add3A_58 = arith.addi %mul3A_56, %add3A_57 : i32
      %dma_wait3A_59 = arith.constant 0 : i32
      %dma_wait3A_60 = tpu.memref_slice %arg3[%dma_wait3A_59] : memref<320048xi32, #tpu.memory_space<hbm>> -> memref<64xi32, #tpu.memory_space<hbm>>
      %dma_wait3A_61 = arith.constant 0 : i32
      %dma_wait3A_62 = tpu.memref_slice %arg3[%dma_wait3A_61] : memref<320048xi32, #tpu.memory_space<hbm>> -> memref<64xi32, #tpu.memory_space<hbm>>
      tpu.wait_dma2 semaphore(%arg17 : memref<!tpu.dma_semaphore, #tpu.memory_space<semaphore_mem>>) src(%dma_wait3A_62 : memref<64xi32, #tpu.memory_space<hbm>>) dst(%arg8 : memref<64xi32, #tpu.memory_space<vmem>>)
      %dma_wait3A_63 = arith.constant 0 : i32
      %dma_wait3A_64 = tpu.memref_slice %arg4[%dma_wait3A_63] : memref<320048xi32, #tpu.memory_space<hbm>> -> memref<64xi32, #tpu.memory_space<hbm>>
      %dma_wait3A_65 = arith.constant 0 : i32
      %dma_wait3A_66 = tpu.memref_slice %arg4[%dma_wait3A_65] : memref<320048xi32, #tpu.memory_space<hbm>> -> memref<64xi32, #tpu.memory_space<hbm>>
      tpu.wait_dma2 semaphore(%arg17 : memref<!tpu.dma_semaphore, #tpu.memory_space<semaphore_mem>>) src(%dma_wait3A_66 : memref<64xi32, #tpu.memory_space<hbm>>) dst(%arg9 : memref<64xi32, #tpu.memory_space<vmem>>)
      %dma_start3A_67 = arith.constant 0 : i32
      %dma_start3A_68 = arith.constant 0 : i32
      %dma_start3A_69 = tpu.memref_slice %arg15[%dma_start3A_67, %dma_start3A_68] : memref<10000x128xf32, #tpu.memory_space<vmem_shared>> -> memref<10000x128xf32, #tpu.memory_space<vmem_shared>>
      tpu.enqueue_indirect_dma source(%dma_start3A_69 : memref<10000x128xf32, #tpu.memory_space<vmem_shared>>) target(%arg12 : memref<64x128xf32, #tpu.memory_space<vmem>>) offsets(%arg8 : memref<64xi32, #tpu.memory_space<vmem>>) semaphore(%arg19 : memref<!tpu.dma_semaphore, #tpu.memory_space<semaphore_mem>>)
      %dma_start3A_70 = arith.constant 0 : i32
      %dma_start3A_71 = arith.constant 0 : i32
      %dma_start3A_72 = tpu.memref_slice %arg15[%dma_start3A_70, %dma_start3A_71] : memref<10000x128xf32, #tpu.memory_space<vmem_shared>> -> memref<10000x128xf32, #tpu.memory_space<vmem_shared>>
      tpu.enqueue_indirect_dma source(%dma_start3A_72 : memref<10000x128xf32, #tpu.memory_space<vmem_shared>>) target(%arg13 : memref<64x128xf32, #tpu.memory_space<vmem>>) offsets(%arg9 : memref<64xi32, #tpu.memory_space<vmem>>) semaphore(%arg19 : memref<!tpu.dma_semaphore, #tpu.memory_space<semaphore_mem>>)
      %dma_wait3A_73 = arith.constant 0 : i32
      %dma_wait3A_74 = arith.constant 0 : i32
      %dma_wait3A_75 = tpu.memref_slice %arg15[%dma_wait3A_73, %dma_wait3A_74] : memref<10000x128xf32, #tpu.memory_space<vmem_shared>> -> memref<10000x128xf32, #tpu.memory_space<vmem_shared>>
      tpu.wait_indirect_dma semaphore(%arg18 : memref<!tpu.dma_semaphore, #tpu.memory_space<semaphore_mem>>) src(%dma_wait3A_75 : memref<10000x128xf32, #tpu.memory_space<vmem_shared>>) dst(%arg10 : memref<64x128xf32, #tpu.memory_space<vmem>>)
      %dma_wait3A_76 = arith.constant 0 : i32
      %dma_wait3A_77 = arith.constant 0 : i32
      %dma_wait3A_78 = tpu.memref_slice %arg15[%dma_wait3A_76, %dma_wait3A_77] : memref<10000x128xf32, #tpu.memory_space<vmem_shared>> -> memref<10000x128xf32, #tpu.memory_space<vmem_shared>>
      tpu.wait_indirect_dma semaphore(%arg18 : memref<!tpu.dma_semaphore, #tpu.memory_space<semaphore_mem>>) src(%dma_wait3A_78 : memref<10000x128xf32, #tpu.memory_space<vmem_shared>>) dst(%arg11 : memref<64x128xf32, #tpu.memory_space<vmem>>)
      %iota3A_79 = tpu.iota {dimensions = array<i32: 0>} : vector<16xi32>
      %scan3A_80 = arith.constant 0 : i32
      %scan3A_81 = arith.constant 0 : i32
      %scan3A_82 = arith.constant 4 : i32
      %scan3A_83 = arith.addi %scan3A_81, %scan3A_82 : i32
      %scan3A_84 = arith.constant 1 : i32
      scf.for %scan3A_130 = %scan3A_81 to %scan3A_83 step %scan3A_84  : i32 {
        %mul3A_131 = arith.constant 16 : i32
        %mul3A_132 = arith.muli %scan3A_130, %mul3A_131 : i32
        %add3A_133 = vector.broadcast %mul3A_132 : i32 to vector<16xi32>
        %add3A_134 = arith.addi %add3A_133, %iota3A_79 : vector<16xi32>
        %broadcast_in_dim3A = arith.constant 0.000000e+00 : f32
        %broadcast_in_dim3A_135 = vector.broadcast %broadcast_in_dim3A : f32 to vector<16xf32>
        %scan3A_136 = arith.constant 0 : i32
        %scan3A_137 = arith.constant 128 : i32
        %scan3A_138 = arith.addi %scan3A_136, %scan3A_137 : i32
        %scan3A_139 = arith.constant 8 : i32
        %scan3A_140 = scf.for %scan3A_148 = %scan3A_136 to %scan3A_138 step %scan3A_139 iter_args(%scan3A_149 = %broadcast_in_dim3A_135) -> (vector<16xf32>)  : i32 {
          %add3A_150 = vector.broadcast %scan3A_148 : i32 to vector<16xi32>
          %add3A_151 = arith.addi %iota3A_79, %add3A_150 : vector<16xi32>
          %and3A = arith.constant 127 : i32
          %and3A_152 = vector.broadcast %and3A : i32 to vector<16xi32>
          %and3A_153 = arith.andi %add3A_151, %and3A_152 : vector<16xi32>
          %gather3A = tpu.vector_load_idx %arg10[%add3A_134, %and3A_153] : memref<64x128xf32, #tpu.memory_space<vmem>>[vector<16xi32>, vector<16xi32>], vector<16xf32>,
          %gather3A_154 = tpu.vector_load_idx %arg11[%add3A_134, %and3A_153] : memref<64x128xf32, #tpu.memory_space<vmem>>[vector<16xi32>, vector<16xi32>], vector<16xf32>,
          %mul3A_155 = arith.mulf %gather3A, %gather3A_154 : vector<16xf32>
          %add3A_156 = arith.addf %scan3A_149, %mul3A_155 : vector<16xf32>
          %scan3A_157 = arith.constant 1 : i32
          %scan3A_158 = arith.addi %scan3A_148, %scan3A_157 : i32
          %add3A_159 = vector.broadcast %scan3A_158 : i32 to vector<16xi32>
          %add3A_160 = arith.addi %iota3A_79, %add3A_159 : vector<16xi32>
          %and3A_161 = arith.constant 127 : i32
          %and3A_162 = vector.broadcast %and3A_161 : i32 to vector<16xi32>
          %and3A_163 = arith.andi %add3A_160, %and3A_162 : vector<16xi32>
          %gather3A_164 = tpu.vector_load_idx %arg10[%add3A_134, %and3A_163] : memref<64x128xf32, #tpu.memory_space<vmem>>[vector<16xi32>, vector<16xi32>], vector<16xf32>,
          %gather3A_165 = tpu.vector_load_idx %arg11[%add3A_134, %and3A_163] : memref<64x128xf32, #tpu.memory_space<vmem>>[vector<16xi32>, vector<16xi32>], vector<16xf32>,
          %mul3A_166 = arith.mulf %gather3A_164, %gather3A_165 : vector<16xf32>
          %add3A_167 = arith.addf %add3A_156, %mul3A_166 : vector<16xf32>
          %scan3A_168 = arith.constant 2 : i32
          %scan3A_169 = arith.addi %scan3A_148, %scan3A_168 : i32
          %add3A_170 = vector.broadcast %scan3A_169 : i32 to vector<16xi32>
          %add3A_171 = arith.addi %iota3A_79, %add3A_170 : vector<16xi32>
          %and3A_172 = arith.constant 127 : i32
          %and3A_173 = vector.broadcast %and3A_172 : i32 to vector<16xi32>
          %and3A_174 = arith.andi %add3A_171, %and3A_173 : vector<16xi32>
          %gather3A_175 = tpu.vector_load_idx %arg10[%add3A_134, %and3A_174] : memref<64x128xf32, #tpu.memory_space<vmem>>[vector<16xi32>, vector<16xi32>], vector<16xf32>,
          %gather3A_176 = tpu.vector_load_idx %arg11[%add3A_134, %and3A_174] : memref<64x128xf32, #tpu.memory_space<vmem>>[vector<16xi32>, vector<16xi32>], vector<16xf32>,
          %mul3A_177 = arith.mulf %gather3A_175, %gather3A_176 : vector<16xf32>
          %add3A_178 = arith.addf %add3A_167, %mul3A_177 : vector<16xf32>
          %scan3A_179 = arith.constant 3 : i32
          %scan3A_180 = arith.addi %scan3A_148, %scan3A_179 : i32
          %add3A_181 = vector.broadcast %scan3A_180 : i32 to vector<16xi32>
          %add3A_182 = arith.addi %iota3A_79, %add3A_181 : vector<16xi32>
          %and3A_183 = arith.constant 127 : i32
          %and3A_184 = vector.broadcast %and3A_183 : i32 to vector<16xi32>
          %and3A_185 = arith.andi %add3A_182, %and3A_184 : vector<16xi32>
          %gather3A_186 = tpu.vector_load_idx %arg10[%add3A_134, %and3A_185] : memref<64x128xf32, #tpu.memory_space<vmem>>[vector<16xi32>, vector<16xi32>], vector<16xf32>,
          %gather3A_187 = tpu.vector_load_idx %arg11[%add3A_134, %and3A_185] : memref<64x128xf32, #tpu.memory_space<vmem>>[vector<16xi32>, vector<16xi32>], vector<16xf32>,
          %mul3A_188 = arith.mulf %gather3A_186, %gather3A_187 : vector<16xf32>
          %add3A_189 = arith.addf %add3A_178, %mul3A_188 : vector<16xf32>
          %scan3A_190 = arith.constant 4 : i32
          %scan3A_191 = arith.addi %scan3A_148, %scan3A_190 : i32
          %add3A_192 = vector.broadcast %scan3A_191 : i32 to vector<16xi32>
          %add3A_193 = arith.addi %iota3A_79, %add3A_192 : vector<16xi32>
          %and3A_194 = arith.constant 127 : i32
          %and3A_195 = vector.broadcast %and3A_194 : i32 to vector<16xi32>
          %and3A_196 = arith.andi %add3A_193, %and3A_195 : vector<16xi32>
          %gather3A_197 = tpu.vector_load_idx %arg10[%add3A_134, %and3A_196] : memref<64x128xf32, #tpu.memory_space<vmem>>[vector<16xi32>, vector<16xi32>], vector<16xf32>,
          %gather3A_198 = tpu.vector_load_idx %arg11[%add3A_134, %and3A_196] : memref<64x128xf32, #tpu.memory_space<vmem>>[vector<16xi32>, vector<16xi32>], vector<16xf32>,
          %mul3A_199 = arith.mulf %gather3A_197, %gather3A_198 : vector<16xf32>
          %add3A_200 = arith.addf %add3A_189, %mul3A_199 : vector<16xf32>
          %scan3A_201 = arith.constant 5 : i32
          %scan3A_202 = arith.addi %scan3A_148, %scan3A_201 : i32
          %add3A_203 = vector.broadcast %scan3A_202 : i32 to vector<16xi32>
          %add3A_204 = arith.addi %iota3A_79, %add3A_203 : vector<16xi32>
          %and3A_205 = arith.constant 127 : i32
          %and3A_206 = vector.broadcast %and3A_205 : i32 to vector<16xi32>
          %and3A_207 = arith.andi %add3A_204, %and3A_206 : vector<16xi32>
          %gather3A_208 = tpu.vector_load_idx %arg10[%add3A_134, %and3A_207] : memref<64x128xf32, #tpu.memory_space<vmem>>[vector<16xi32>, vector<16xi32>], vector<16xf32>,
          %gather3A_209 = tpu.vector_load_idx %arg11[%add3A_134, %and3A_207] : memref<64x128xf32, #tpu.memory_space<vmem>>[vector<16xi32>, vector<16xi32>], vector<16xf32>,
          %mul3A_210 = arith.mulf %gather3A_208, %gather3A_209 : vector<16xf32>
          %add3A_211 = arith.addf %add3A_200, %mul3A_210 : vector<16xf32>
          %scan3A_212 = arith.constant 6 : i32
          %scan3A_213 = arith.addi %scan3A_148, %scan3A_212 : i32
          %add3A_214 = vector.broadcast %scan3A_213 : i32 to vector<16xi32>
          %add3A_215 = arith.addi %iota3A_79, %add3A_214 : vector<16xi32>
          %and3A_216 = arith.constant 127 : i32
          %and3A_217 = vector.broadcast %and3A_216 : i32 to vector<16xi32>
          %and3A_218 = arith.andi %add3A_215, %and3A_217 : vector<16xi32>
          %gather3A_219 = tpu.vector_load_idx %arg10[%add3A_134, %and3A_218] : memref<64x128xf32, #tpu.memory_space<vmem>>[vector<16xi32>, vector<16xi32>], vector<16xf32>,
          %gather3A_220 = tpu.vector_load_idx %arg11[%add3A_134, %and3A_218] : memref<64x128xf32, #tpu.memory_space<vmem>>[vector<16xi32>, vector<16xi32>], vector<16xf32>,
          %mul3A_221 = arith.mulf %gather3A_219, %gather3A_220 : vector<16xf32>
          %add3A_222 = arith.addf %add3A_211, %mul3A_221 : vector<16xf32>
          %scan3A_223 = arith.constant 7 : i32
          %scan3A_224 = arith.addi %scan3A_148, %scan3A_223 : i32
          %add3A_225 = vector.broadcast %scan3A_224 : i32 to vector<16xi32>
          %add3A_226 = arith.addi %iota3A_79, %add3A_225 : vector<16xi32>
          %and3A_227 = arith.constant 127 : i32
          %and3A_228 = vector.broadcast %and3A_227 : i32 to vector<16xi32>
          %and3A_229 = arith.andi %add3A_226, %and3A_228 : vector<16xi32>
          %gather3A_230 = tpu.vector_load_idx %arg10[%add3A_134, %and3A_229] : memref<64x128xf32, #tpu.memory_space<vmem>>[vector<16xi32>, vector<16xi32>], vector<16xf32>,
          %gather3A_231 = tpu.vector_load_idx %arg11[%add3A_134, %and3A_229] : memref<64x128xf32, #tpu.memory_space<vmem>>[vector<16xi32>, vector<16xi32>], vector<16xf32>,
          %mul3A_232 = arith.mulf %gather3A_230, %gather3A_231 : vector<16xf32>
          %add3A_233 = arith.addf %add3A_222, %mul3A_232 : vector<16xf32>
          scf.yield %add3A_233 : vector<16xf32>
        }
        %scan3A_141 = arith.constant 128 : i32
        %mul3A_142 = arith.constant 64 : i32
        %mul3A_143 = arith.muli %mul3A_56, %mul3A_142 : i32
        %mul3A_144 = arith.constant 16 : i32
        %mul3A_145 = arith.muli %scan3A_130, %mul3A_144 : i32
        %add3A_146 = arith.addi %mul3A_143, %mul3A_145 : i32
        %swap3A = arith.index_cast %add3A_146 : i32 to index
        %swap3A_147 = tpu.vector_load %arg14[%swap3A] {strides = array<i32>} : memref<10048xf32, #tpu.memory_space<vmem>>, vector<16xf32>,
        tpu.vector_store %arg14[%swap3A], %scan3A_140 {strides = array<i32>} : memref<10048xf32, #tpu.memory_space<vmem>>, vector<16xf32>,
      }
      %scan3A_85 = arith.constant 4 : i32
      %add3A_86 = arith.constant 2 : i32
      %add3A_87 = arith.addi %mul3A_56, %add3A_86 : i32
      %mul3A_88 = arith.constant 10000 : i32
      %mul3A_89 = arith.muli %add3A, %mul3A_88 : i32
      %mul3A_90 = arith.constant 64 : i32
      %mul3A_91 = arith.muli %add3A_87, %mul3A_90 : i32
      %add3A_92 = arith.addi %mul3A_89, %mul3A_91 : i32
      %dma_start3A_93 = tpu.memref_slice %arg3[%add3A_92] : memref<320048xi32, #tpu.memory_space<hbm>> -> memref<64xi32, #tpu.memory_space<hbm>>
      %dma_start3A_94 = tpu.memref_slice %arg3[%add3A_92] : memref<320048xi32, #tpu.memory_space<hbm>> -> memref<64xi32, #tpu.memory_space<hbm>>
      tpu.enqueue_dma source(%dma_start3A_94 : memref<64xi32, #tpu.memory_space<hbm>>) target(%arg6 : memref<64xi32, #tpu.memory_space<vmem>>) target_semaphore(%arg16 : memref<!tpu.dma_semaphore, #tpu.memory_space<semaphore_mem>>)
      %dma_start3A_95 = tpu.memref_slice %arg4[%add3A_92] : memref<320048xi32, #tpu.memory_space<hbm>> -> memref<64xi32, #tpu.memory_space<hbm>>
      %dma_start3A_96 = tpu.memref_slice %arg4[%add3A_92] : memref<320048xi32, #tpu.memory_space<hbm>> -> memref<64xi32, #tpu.memory_space<hbm>>
      tpu.enqueue_dma source(%dma_start3A_96 : memref<64xi32, #tpu.memory_space<hbm>>) target(%arg7 : memref<64xi32, #tpu.memory_space<vmem>>) target_semaphore(%arg16 : memref<!tpu.dma_semaphore, #tpu.memory_space<semaphore_mem>>)
      %dma_wait3A_97 = arith.constant 0 : i32
      %dma_wait3A_98 = arith.constant 0 : i32
      %dma_wait3A_99 = tpu.memref_slice %arg15[%dma_wait3A_97, %dma_wait3A_98] : memref<10000x128xf32, #tpu.memory_space<vmem_shared>> -> memref<10000x128xf32, #tpu.memory_space<vmem_shared>>
      tpu.wait_indirect_dma semaphore(%arg19 : memref<!tpu.dma_semaphore, #tpu.memory_space<semaphore_mem>>) src(%dma_wait3A_99 : memref<10000x128xf32, #tpu.memory_space<vmem_shared>>) dst(%arg12 : memref<64x128xf32, #tpu.memory_space<vmem>>)
      %dma_wait3A_100 = arith.constant 0 : i32
      %dma_wait3A_101 = arith.constant 0 : i32
      %dma_wait3A_102 = tpu.memref_slice %arg15[%dma_wait3A_100, %dma_wait3A_101] : memref<10000x128xf32, #tpu.memory_space<vmem_shared>> -> memref<10000x128xf32, #tpu.memory_space<vmem_shared>>
      tpu.wait_indirect_dma semaphore(%arg19 : memref<!tpu.dma_semaphore, #tpu.memory_space<semaphore_mem>>) src(%dma_wait3A_102 : memref<10000x128xf32, #tpu.memory_space<vmem_shared>>) dst(%arg13 : memref<64x128xf32, #tpu.memory_space<vmem>>)
      %iota3A_103 = tpu.iota {dimensions = array<i32: 0>} : vector<16xi32>
      %scan3A_104 = arith.constant 0 : i32
      %scan3A_105 = arith.constant 0 : i32
      %scan3A_106 = arith.constant 4 : i32
      %scan3A_107 = arith.addi %scan3A_105, %scan3A_106 : i32
      %scan3A_108 = arith.constant 1 : i32
      scf.for %scan3A_130 = %scan3A_105 to %scan3A_107 step %scan3A_108  : i32 {
        %mul3A_131 = arith.constant 16 : i32
        %mul3A_132 = arith.muli %scan3A_130, %mul3A_131 : i32
        %add3A_133 = vector.broadcast %mul3A_132 : i32 to vector<16xi32>
        %add3A_134 = arith.addi %add3A_133, %iota3A_103 : vector<16xi32>
        %broadcast_in_dim3A = arith.constant 0.000000e+00 : f32
        %broadcast_in_dim3A_135 = vector.broadcast %broadcast_in_dim3A : f32 to vector<16xf32>
        %scan3A_136 = arith.constant 0 : i32
        %scan3A_137 = arith.constant 128 : i32
        %scan3A_138 = arith.addi %scan3A_136, %scan3A_137 : i32
        %scan3A_139 = arith.constant 8 : i32
        %scan3A_140 = scf.for %scan3A_148 = %scan3A_136 to %scan3A_138 step %scan3A_139 iter_args(%scan3A_149 = %broadcast_in_dim3A_135) -> (vector<16xf32>)  : i32 {
          %add3A_150 = vector.broadcast %scan3A_148 : i32 to vector<16xi32>
          %add3A_151 = arith.addi %iota3A_103, %add3A_150 : vector<16xi32>
          %and3A = arith.constant 127 : i32
          %and3A_152 = vector.broadcast %and3A : i32 to vector<16xi32>
          %and3A_153 = arith.andi %add3A_151, %and3A_152 : vector<16xi32>
          %gather3A = tpu.vector_load_idx %arg12[%add3A_134, %and3A_153] : memref<64x128xf32, #tpu.memory_space<vmem>>[vector<16xi32>, vector<16xi32>], vector<16xf32>,
          %gather3A_154 = tpu.vector_load_idx %arg13[%add3A_134, %and3A_153] : memref<64x128xf32, #tpu.memory_space<vmem>>[vector<16xi32>, vector<16xi32>], vector<16xf32>,
          %mul3A_155 = arith.mulf %gather3A, %gather3A_154 : vector<16xf32>
          %add3A_156 = arith.addf %scan3A_149, %mul3A_155 : vector<16xf32>
          %scan3A_157 = arith.constant 1 : i32
          %scan3A_158 = arith.addi %scan3A_148, %scan3A_157 : i32
          %add3A_159 = vector.broadcast %scan3A_158 : i32 to vector<16xi32>
          %add3A_160 = arith.addi %iota3A_103, %add3A_159 : vector<16xi32>
          %and3A_161 = arith.constant 127 : i32
          %and3A_162 = vector.broadcast %and3A_161 : i32 to vector<16xi32>
          %and3A_163 = arith.andi %add3A_160, %and3A_162 : vector<16xi32>
          %gather3A_164 = tpu.vector_load_idx %arg12[%add3A_134, %and3A_163] : memref<64x128xf32, #tpu.memory_space<vmem>>[vector<16xi32>, vector<16xi32>], vector<16xf32>,
          %gather3A_165 = tpu.vector_load_idx %arg13[%add3A_134, %and3A_163] : memref<64x128xf32, #tpu.memory_space<vmem>>[vector<16xi32>, vector<16xi32>], vector<16xf32>,
          %mul3A_166 = arith.mulf %gather3A_164, %gather3A_165 : vector<16xf32>
          %add3A_167 = arith.addf %add3A_156, %mul3A_166 : vector<16xf32>
          %scan3A_168 = arith.constant 2 : i32
          %scan3A_169 = arith.addi %scan3A_148, %scan3A_168 : i32
          %add3A_170 = vector.broadcast %scan3A_169 : i32 to vector<16xi32>
          %add3A_171 = arith.addi %iota3A_103, %add3A_170 : vector<16xi32>
          %and3A_172 = arith.constant 127 : i32
          %and3A_173 = vector.broadcast %and3A_172 : i32 to vector<16xi32>
          %and3A_174 = arith.andi %add3A_171, %and3A_173 : vector<16xi32>
          %gather3A_175 = tpu.vector_load_idx %arg12[%add3A_134, %and3A_174] : memref<64x128xf32, #tpu.memory_space<vmem>>[vector<16xi32>, vector<16xi32>], vector<16xf32>,
          %gather3A_176 = tpu.vector_load_idx %arg13[%add3A_134, %and3A_174] : memref<64x128xf32, #tpu.memory_space<vmem>>[vector<16xi32>, vector<16xi32>], vector<16xf32>,
          %mul3A_177 = arith.mulf %gather3A_175, %gather3A_176 : vector<16xf32>
          %add3A_178 = arith.addf %add3A_167, %mul3A_177 : vector<16xf32>
          %scan3A_179 = arith.constant 3 : i32
          %scan3A_180 = arith.addi %scan3A_148, %scan3A_179 : i32
          %add3A_181 = vector.broadcast %scan3A_180 : i32 to vector<16xi32>
          %add3A_182 = arith.addi %iota3A_103, %add3A_181 : vector<16xi32>
          %and3A_183 = arith.constant 127 : i32
          %and3A_184 = vector.broadcast %and3A_183 : i32 to vector<16xi32>
          %and3A_185 = arith.andi %add3A_182, %and3A_184 : vector<16xi32>
          %gather3A_186 = tpu.vector_load_idx %arg12[%add3A_134, %and3A_185] : memref<64x128xf32, #tpu.memory_space<vmem>>[vector<16xi32>, vector<16xi32>], vector<16xf32>,
          %gather3A_187 = tpu.vector_load_idx %arg13[%add3A_134, %and3A_185] : memref<64x128xf32, #tpu.memory_space<vmem>>[vector<16xi32>, vector<16xi32>], vector<16xf32>,
          %mul3A_188 = arith.mulf %gather3A_186, %gather3A_187 : vector<16xf32>
          %add3A_189 = arith.addf %add3A_178, %mul3A_188 : vector<16xf32>
          %scan3A_190 = arith.constant 4 : i32
          %scan3A_191 = arith.addi %scan3A_148, %scan3A_190 : i32
          %add3A_192 = vector.broadcast %scan3A_191 : i32 to vector<16xi32>
          %add3A_193 = arith.addi %iota3A_103, %add3A_192 : vector<16xi32>
          %and3A_194 = arith.constant 127 : i32
          %and3A_195 = vector.broadcast %and3A_194 : i32 to vector<16xi32>
          %and3A_196 = arith.andi %add3A_193, %and3A_195 : vector<16xi32>
          %gather3A_197 = tpu.vector_load_idx %arg12[%add3A_134, %and3A_196] : memref<64x128xf32, #tpu.memory_space<vmem>>[vector<16xi32>, vector<16xi32>], vector<16xf32>,
          %gather3A_198 = tpu.vector_load_idx %arg13[%add3A_134, %and3A_196] : memref<64x128xf32, #tpu.memory_space<vmem>>[vector<16xi32>, vector<16xi32>], vector<16xf32>,
          %mul3A_199 = arith.mulf %gather3A_197, %gather3A_198 : vector<16xf32>
          %add3A_200 = arith.addf %add3A_189, %mul3A_199 : vector<16xf32>
          %scan3A_201 = arith.constant 5 : i32
          %scan3A_202 = arith.addi %scan3A_148, %scan3A_201 : i32
          %add3A_203 = vector.broadcast %scan3A_202 : i32 to vector<16xi32>
          %add3A_204 = arith.addi %iota3A_103, %add3A_203 : vector<16xi32>
          %and3A_205 = arith.constant 127 : i32
          %and3A_206 = vector.broadcast %and3A_205 : i32 to vector<16xi32>
          %and3A_207 = arith.andi %add3A_204, %and3A_206 : vector<16xi32>
          %gather3A_208 = tpu.vector_load_idx %arg12[%add3A_134, %and3A_207] : memref<64x128xf32, #tpu.memory_space<vmem>>[vector<16xi32>, vector<16xi32>], vector<16xf32>,
          %gather3A_209 = tpu.vector_load_idx %arg13[%add3A_134, %and3A_207] : memref<64x128xf32, #tpu.memory_space<vmem>>[vector<16xi32>, vector<16xi32>], vector<16xf32>,
          %mul3A_210 = arith.mulf %gather3A_208, %gather3A_209 : vector<16xf32>
          %add3A_211 = arith.addf %add3A_200, %mul3A_210 : vector<16xf32>
          %scan3A_212 = arith.constant 6 : i32
          %scan3A_213 = arith.addi %scan3A_148, %scan3A_212 : i32
          %add3A_214 = vector.broadcast %scan3A_213 : i32 to vector<16xi32>
          %add3A_215 = arith.addi %iota3A_103, %add3A_214 : vector<16xi32>
          %and3A_216 = arith.constant 127 : i32
          %and3A_217 = vector.broadcast %and3A_216 : i32 to vector<16xi32>
          %and3A_218 = arith.andi %add3A_215, %and3A_217 : vector<16xi32>
          %gather3A_219 = tpu.vector_load_idx %arg12[%add3A_134, %and3A_218] : memref<64x128xf32, #tpu.memory_space<vmem>>[vector<16xi32>, vector<16xi32>], vector<16xf32>,
          %gather3A_220 = tpu.vector_load_idx %arg13[%add3A_134, %and3A_218] : memref<64x128xf32, #tpu.memory_space<vmem>>[vector<16xi32>, vector<16xi32>], vector<16xf32>,
          %mul3A_221 = arith.mulf %gather3A_219, %gather3A_220 : vector<16xf32>
          %add3A_222 = arith.addf %add3A_211, %mul3A_221 : vector<16xf32>
          %scan3A_223 = arith.constant 7 : i32
          %scan3A_224 = arith.addi %scan3A_148, %scan3A_223 : i32
          %add3A_225 = vector.broadcast %scan3A_224 : i32 to vector<16xi32>
          %add3A_226 = arith.addi %iota3A_103, %add3A_225 : vector<16xi32>
          %and3A_227 = arith.constant 127 : i32
          %and3A_228 = vector.broadcast %and3A_227 : i32 to vector<16xi32>
          %and3A_229 = arith.andi %add3A_226, %and3A_228 : vector<16xi32>
          %gather3A_230 = tpu.vector_load_idx %arg12[%add3A_134, %and3A_229] : memref<64x128xf32, #tpu.memory_space<vmem>>[vector<16xi32>, vector<16xi32>], vector<16xf32>,
          %gather3A_231 = tpu.vector_load_idx %arg13[%add3A_134, %and3A_229] : memref<64x128xf32, #tpu.memory_space<vmem>>[vector<16xi32>, vector<16xi32>], vector<16xf32>,
          %mul3A_232 = arith.mulf %gather3A_230, %gather3A_231 : vector<16xf32>
          %add3A_233 = arith.addf %add3A_222, %mul3A_232 : vector<16xf32>
          scf.yield %add3A_233 : vector<16xf32>
        }
        %scan3A_141 = arith.constant 128 : i32
        %mul3A_142 = arith.constant 64 : i32
        %mul3A_143 = arith.muli %add3A_58, %mul3A_142 : i32
        %mul3A_144 = arith.constant 16 : i32
        %mul3A_145 = arith.muli %scan3A_130, %mul3A_144 : i32
        %add3A_146 = arith.addi %mul3A_143, %mul3A_145 : i32
        %swap3A = arith.index_cast %add3A_146 : i32 to index
        %swap3A_147 = tpu.vector_load %arg14[%swap3A] {strides = array<i32>} : memref<10048xf32, #tpu.memory_space<vmem>>, vector<16xf32>,
        tpu.vector_store %arg14[%swap3A], %scan3A_140 {strides = array<i32>} : memref<10048xf32, #tpu.memory_space<vmem>>, vector<16xf32>,
      }
      %scan3A_109 = arith.constant 4 : i32
      %add3A_110 = arith.constant 2 : i32
      %add3A_111 = arith.addi %add3A_58, %add3A_110 : i32
      %lt3A = arith.constant 157 : i32
      %lt3A_112 = arith.cmpi slt, %add3A_111, %lt3A : i32
      %convert_element_type3A_113 = arith.extui %lt3A_112 : i1 to i32
      %cond3A_114 = arith.constant 0 : i32
      %cond3A_115 = arith.cmpi ne, %convert_element_type3A_113, %cond3A_114 : i32
      scf.if %cond3A_115 {
        %add3A_130 = arith.constant 2 : i32
        %add3A_131 = arith.addi %add3A_58, %add3A_130 : i32
        %mul3A_132 = arith.constant 10000 : i32
        %mul3A_133 = arith.muli %add3A, %mul3A_132 : i32
        %mul3A_134 = arith.constant 64 : i32
        %mul3A_135 = arith.muli %add3A_131, %mul3A_134 : i32
        %add3A_136 = arith.addi %mul3A_133, %mul3A_135 : i32
        %dma_start3A_137 = tpu.memref_slice %arg3[%add3A_136] : memref<320048xi32, #tpu.memory_space<hbm>> -> memref<64xi32, #tpu.memory_space<hbm>>
        %dma_start3A_138 = tpu.memref_slice %arg3[%add3A_136] : memref<320048xi32, #tpu.memory_space<hbm>> -> memref<64xi32, #tpu.memory_space<hbm>>
        tpu.enqueue_dma source(%dma_start3A_138 : memref<64xi32, #tpu.memory_space<hbm>>) target(%arg8 : memref<64xi32, #tpu.memory_space<vmem>>) target_semaphore(%arg17 : memref<!tpu.dma_semaphore, #tpu.memory_space<semaphore_mem>>)
        %dma_start3A_139 = tpu.memref_slice %arg4[%add3A_136] : memref<320048xi32, #tpu.memory_space<hbm>> -> memref<64xi32, #tpu.memory_space<hbm>>
        %dma_start3A_140 = tpu.memref_slice %arg4[%add3A_136] : memref<320048xi32, #tpu.memory_space<hbm>> -> memref<64xi32, #tpu.memory_space<hbm>>
        tpu.enqueue_dma source(%dma_start3A_140 : memref<64xi32, #tpu.memory_space<hbm>>) target(%arg9 : memref<64xi32, #tpu.memory_space<vmem>>) target_semaphore(%arg17 : memref<!tpu.dma_semaphore, #tpu.memory_space<semaphore_mem>>)
      } else {
      }
      %dma_wait3A_116 = arith.constant 0 : i32
      %dma_wait3A_117 = tpu.memref_slice %arg3[%dma_wait3A_116] : memref<320048xi32, #tpu.memory_space<hbm>> -> memref<64xi32, #tpu.memory_space<hbm>>
      %dma_wait3A_118 = arith.constant 0 : i32
      %dma_wait3A_119 = tpu.memref_slice %arg3[%dma_wait3A_118] : memref<320048xi32, #tpu.memory_space<hbm>> -> memref<64xi32, #tpu.memory_space<hbm>>
      tpu.wait_dma2 semaphore(%arg16 : memref<!tpu.dma_semaphore, #tpu.memory_space<semaphore_mem>>) src(%dma_wait3A_119 : memref<64xi32, #tpu.memory_space<hbm>>) dst(%arg6 : memref<64xi32, #tpu.memory_space<vmem>>)
      %dma_wait3A_120 = arith.constant 0 : i32
      %dma_wait3A_121 = tpu.memref_slice %arg4[%dma_wait3A_120] : memref<320048xi32, #tpu.memory_space<hbm>> -> memref<64xi32, #tpu.memory_space<hbm>>
      %dma_wait3A_122 = arith.constant 0 : i32
      %dma_wait3A_123 = tpu.memref_slice %arg4[%dma_wait3A_122] : memref<320048xi32, #tpu.memory_space<hbm>> -> memref<64xi32, #tpu.memory_space<hbm>>
      tpu.wait_dma2 semaphore(%arg16 : memref<!tpu.dma_semaphore, #tpu.memory_space<semaphore_mem>>) src(%dma_wait3A_123 : memref<64xi32, #tpu.memory_space<hbm>>) dst(%arg7 : memref<64xi32, #tpu.memory_space<vmem>>)
      %dma_start3A_124 = arith.constant 0 : i32
      %dma_start3A_125 = arith.constant 0 : i32
      %dma_start3A_126 = tpu.memref_slice %arg15[%dma_start3A_124, %dma_start3A_125] : memref<10000x128xf32, #tpu.memory_space<vmem_shared>> -> memref<10000x128xf32, #tpu.memory_space<vmem_shared>>
      tpu.enqueue_indirect_dma source(%dma_start3A_126 : memref<10000x128xf32, #tpu.memory_space<vmem_shared>>) target(%arg10 : memref<64x128xf32, #tpu.memory_space<vmem>>) offsets(%arg6 : memref<64xi32, #tpu.memory_space<vmem>>) semaphore(%arg18 : memref<!tpu.dma_semaphore, #tpu.memory_space<semaphore_mem>>)
      %dma_start3A_127 = arith.constant 0 : i32
      %dma_start3A_128 = arith.constant 0 : i32
      %dma_start3A_129 = tpu.memref_slice %arg15[%dma_start3A_127, %dma_start3A_128] : memref<10000x128xf32, #tpu.memory_space<vmem_shared>> -> memref<10000x128xf32, #tpu.memory_space<vmem_shared>>
      tpu.enqueue_indirect_dma source(%dma_start3A_129 : memref<10000x128xf32, #tpu.memory_space<vmem_shared>>) target(%arg11 : memref<64x128xf32, #tpu.memory_space<vmem>>) offsets(%arg7 : memref<64xi32, #tpu.memory_space<vmem>>) semaphore(%arg18 : memref<!tpu.dma_semaphore, #tpu.memory_space<semaphore_mem>>)
    }
    %scan3A_39 = arith.constant 78 : i32
    %dma_wait3A_40 = arith.constant 0 : i32
    %dma_wait3A_41 = arith.constant 0 : i32
    %dma_wait3A_42 = tpu.memref_slice %arg15[%dma_wait3A_40, %dma_wait3A_41] : memref<10000x128xf32, #tpu.memory_space<vmem_shared>> -> memref<10000x128xf32, #tpu.memory_space<vmem_shared>>
    tpu.wait_indirect_dma semaphore(%arg18 : memref<!tpu.dma_semaphore, #tpu.memory_space<semaphore_mem>>) src(%dma_wait3A_42 : memref<10000x128xf32, #tpu.memory_space<vmem_shared>>) dst(%arg10 : memref<64x128xf32, #tpu.memory_space<vmem>>)
    %dma_wait3A_43 = arith.constant 0 : i32
    %dma_wait3A_44 = arith.constant 0 : i32
    %dma_wait3A_45 = tpu.memref_slice %arg15[%dma_wait3A_43, %dma_wait3A_44] : memref<10000x128xf32, #tpu.memory_space<vmem_shared>> -> memref<10000x128xf32, #tpu.memory_space<vmem_shared>>
    tpu.wait_indirect_dma semaphore(%arg18 : memref<!tpu.dma_semaphore, #tpu.memory_space<semaphore_mem>>) src(%dma_wait3A_45 : memref<10000x128xf32, #tpu.memory_space<vmem_shared>>) dst(%arg11 : memref<64x128xf32, #tpu.memory_space<vmem>>)
    %iota3A = tpu.iota {dimensions = array<i32: 0>} : vector<16xi32>
    %scan3A_46 = arith.constant 0 : i32
    %scan3A_47 = arith.constant 0 : i32
    %scan3A_48 = arith.constant 4 : i32
    %scan3A_49 = arith.addi %scan3A_47, %scan3A_48 : i32
    %scan3A_50 = arith.constant 1 : i32
    scf.for %scan3A_54 = %scan3A_47 to %scan3A_49 step %scan3A_50  : i32 {
      %mul3A_55 = arith.constant 16 : i32
      %mul3A_56 = arith.muli %scan3A_54, %mul3A_55 : i32
      %add3A_57 = vector.broadcast %mul3A_56 : i32 to vector<16xi32>
      %add3A_58 = arith.addi %add3A_57, %iota3A : vector<16xi32>
      %broadcast_in_dim3A = arith.constant 0.000000e+00 : f32
      %broadcast_in_dim3A_59 = vector.broadcast %broadcast_in_dim3A : f32 to vector<16xf32>
      %scan3A_60 = arith.constant 0 : i32
      %scan3A_61 = arith.constant 128 : i32
      %scan3A_62 = arith.addi %scan3A_60, %scan3A_61 : i32
      %scan3A_63 = arith.constant 8 : i32
      %scan3A_64 = scf.for %scan3A_71 = %scan3A_60 to %scan3A_62 step %scan3A_63 iter_args(%scan3A_72 = %broadcast_in_dim3A_59) -> (vector<16xf32>)  : i32 {
        %add3A_73 = vector.broadcast %scan3A_71 : i32 to vector<16xi32>
        %add3A_74 = arith.addi %iota3A, %add3A_73 : vector<16xi32>
        %and3A = arith.constant 127 : i32
        %and3A_75 = vector.broadcast %and3A : i32 to vector<16xi32>
        %and3A_76 = arith.andi %add3A_74, %and3A_75 : vector<16xi32>
        %gather3A = tpu.vector_load_idx %arg10[%add3A_58, %and3A_76] : memref<64x128xf32, #tpu.memory_space<vmem>>[vector<16xi32>, vector<16xi32>], vector<16xf32>,
        %gather3A_77 = tpu.vector_load_idx %arg11[%add3A_58, %and3A_76] : memref<64x128xf32, #tpu.memory_space<vmem>>[vector<16xi32>, vector<16xi32>], vector<16xf32>,
        %mul3A_78 = arith.mulf %gather3A, %gather3A_77 : vector<16xf32>
        %add3A_79 = arith.addf %scan3A_72, %mul3A_78 : vector<16xf32>
        %scan3A_80 = arith.constant 1 : i32
        %scan3A_81 = arith.addi %scan3A_71, %scan3A_80 : i32
        %add3A_82 = vector.broadcast %scan3A_81 : i32 to vector<16xi32>
        %add3A_83 = arith.addi %iota3A, %add3A_82 : vector<16xi32>
        %and3A_84 = arith.constant 127 : i32
        %and3A_85 = vector.broadcast %and3A_84 : i32 to vector<16xi32>
        %and3A_86 = arith.andi %add3A_83, %and3A_85 : vector<16xi32>
        %gather3A_87 = tpu.vector_load_idx %arg10[%add3A_58, %and3A_86] : memref<64x128xf32, #tpu.memory_space<vmem>>[vector<16xi32>, vector<16xi32>], vector<16xf32>,
        %gather3A_88 = tpu.vector_load_idx %arg11[%add3A_58, %and3A_86] : memref<64x128xf32, #tpu.memory_space<vmem>>[vector<16xi32>, vector<16xi32>], vector<16xf32>,
        %mul3A_89 = arith.mulf %gather3A_87, %gather3A_88 : vector<16xf32>
        %add3A_90 = arith.addf %add3A_79, %mul3A_89 : vector<16xf32>
        %scan3A_91 = arith.constant 2 : i32
        %scan3A_92 = arith.addi %scan3A_71, %scan3A_91 : i32
        %add3A_93 = vector.broadcast %scan3A_92 : i32 to vector<16xi32>
        %add3A_94 = arith.addi %iota3A, %add3A_93 : vector<16xi32>
        %and3A_95 = arith.constant 127 : i32
        %and3A_96 = vector.broadcast %and3A_95 : i32 to vector<16xi32>
        %and3A_97 = arith.andi %add3A_94, %and3A_96 : vector<16xi32>
        %gather3A_98 = tpu.vector_load_idx %arg10[%add3A_58, %and3A_97] : memref<64x128xf32, #tpu.memory_space<vmem>>[vector<16xi32>, vector<16xi32>], vector<16xf32>,
        %gather3A_99 = tpu.vector_load_idx %arg11[%add3A_58, %and3A_97] : memref<64x128xf32, #tpu.memory_space<vmem>>[vector<16xi32>, vector<16xi32>], vector<16xf32>,
        %mul3A_100 = arith.mulf %gather3A_98, %gather3A_99 : vector<16xf32>
        %add3A_101 = arith.addf %add3A_90, %mul3A_100 : vector<16xf32>
        %scan3A_102 = arith.constant 3 : i32
        %scan3A_103 = arith.addi %scan3A_71, %scan3A_102 : i32
        %add3A_104 = vector.broadcast %scan3A_103 : i32 to vector<16xi32>
        %add3A_105 = arith.addi %iota3A, %add3A_104 : vector<16xi32>
        %and3A_106 = arith.constant 127 : i32
        %and3A_107 = vector.broadcast %and3A_106 : i32 to vector<16xi32>
        %and3A_108 = arith.andi %add3A_105, %and3A_107 : vector<16xi32>
        %gather3A_109 = tpu.vector_load_idx %arg10[%add3A_58, %and3A_108] : memref<64x128xf32, #tpu.memory_space<vmem>>[vector<16xi32>, vector<16xi32>], vector<16xf32>,
        %gather3A_110 = tpu.vector_load_idx %arg11[%add3A_58, %and3A_108] : memref<64x128xf32, #tpu.memory_space<vmem>>[vector<16xi32>, vector<16xi32>], vector<16xf32>,
        %mul3A_111 = arith.mulf %gather3A_109, %gather3A_110 : vector<16xf32>
        %add3A_112 = arith.addf %add3A_101, %mul3A_111 : vector<16xf32>
        %scan3A_113 = arith.constant 4 : i32
        %scan3A_114 = arith.addi %scan3A_71, %scan3A_113 : i32
        %add3A_115 = vector.broadcast %scan3A_114 : i32 to vector<16xi32>
        %add3A_116 = arith.addi %iota3A, %add3A_115 : vector<16xi32>
        %and3A_117 = arith.constant 127 : i32
        %and3A_118 = vector.broadcast %and3A_117 : i32 to vector<16xi32>
        %and3A_119 = arith.andi %add3A_116, %and3A_118 : vector<16xi32>
        %gather3A_120 = tpu.vector_load_idx %arg10[%add3A_58, %and3A_119] : memref<64x128xf32, #tpu.memory_space<vmem>>[vector<16xi32>, vector<16xi32>], vector<16xf32>,
        %gather3A_121 = tpu.vector_load_idx %arg11[%add3A_58, %and3A_119] : memref<64x128xf32, #tpu.memory_space<vmem>>[vector<16xi32>, vector<16xi32>], vector<16xf32>,
        %mul3A_122 = arith.mulf %gather3A_120, %gather3A_121 : vector<16xf32>
        %add3A_123 = arith.addf %add3A_112, %mul3A_122 : vector<16xf32>
        %scan3A_124 = arith.constant 5 : i32
        %scan3A_125 = arith.addi %scan3A_71, %scan3A_124 : i32
        %add3A_126 = vector.broadcast %scan3A_125 : i32 to vector<16xi32>
        %add3A_127 = arith.addi %iota3A, %add3A_126 : vector<16xi32>
        %and3A_128 = arith.constant 127 : i32
        %and3A_129 = vector.broadcast %and3A_128 : i32 to vector<16xi32>
        %and3A_130 = arith.andi %add3A_127, %and3A_129 : vector<16xi32>
        %gather3A_131 = tpu.vector_load_idx %arg10[%add3A_58, %and3A_130] : memref<64x128xf32, #tpu.memory_space<vmem>>[vector<16xi32>, vector<16xi32>], vector<16xf32>,
        %gather3A_132 = tpu.vector_load_idx %arg11[%add3A_58, %and3A_130] : memref<64x128xf32, #tpu.memory_space<vmem>>[vector<16xi32>, vector<16xi32>], vector<16xf32>,
        %mul3A_133 = arith.mulf %gather3A_131, %gather3A_132 : vector<16xf32>
        %add3A_134 = arith.addf %add3A_123, %mul3A_133 : vector<16xf32>
        %scan3A_135 = arith.constant 6 : i32
        %scan3A_136 = arith.addi %scan3A_71, %scan3A_135 : i32
        %add3A_137 = vector.broadcast %scan3A_136 : i32 to vector<16xi32>
        %add3A_138 = arith.addi %iota3A, %add3A_137 : vector<16xi32>
        %and3A_139 = arith.constant 127 : i32
        %and3A_140 = vector.broadcast %and3A_139 : i32 to vector<16xi32>
        %and3A_141 = arith.andi %add3A_138, %and3A_140 : vector<16xi32>
        %gather3A_142 = tpu.vector_load_idx %arg10[%add3A_58, %and3A_141] : memref<64x128xf32, #tpu.memory_space<vmem>>[vector<16xi32>, vector<16xi32>], vector<16xf32>,
        %gather3A_143 = tpu.vector_load_idx %arg11[%add3A_58, %and3A_141] : memref<64x128xf32, #tpu.memory_space<vmem>>[vector<16xi32>, vector<16xi32>], vector<16xf32>,
        %mul3A_144 = arith.mulf %gather3A_142, %gather3A_143 : vector<16xf32>
        %add3A_145 = arith.addf %add3A_134, %mul3A_144 : vector<16xf32>
        %scan3A_146 = arith.constant 7 : i32
        %scan3A_147 = arith.addi %scan3A_71, %scan3A_146 : i32
        %add3A_148 = vector.broadcast %scan3A_147 : i32 to vector<16xi32>
        %add3A_149 = arith.addi %iota3A, %add3A_148 : vector<16xi32>
        %and3A_150 = arith.constant 127 : i32
        %and3A_151 = vector.broadcast %and3A_150 : i32 to vector<16xi32>
        %and3A_152 = arith.andi %add3A_149, %and3A_151 : vector<16xi32>
        %gather3A_153 = tpu.vector_load_idx %arg10[%add3A_58, %and3A_152] : memref<64x128xf32, #tpu.memory_space<vmem>>[vector<16xi32>, vector<16xi32>], vector<16xf32>,
        %gather3A_154 = tpu.vector_load_idx %arg11[%add3A_58, %and3A_152] : memref<64x128xf32, #tpu.memory_space<vmem>>[vector<16xi32>, vector<16xi32>], vector<16xf32>,
        %mul3A_155 = arith.mulf %gather3A_153, %gather3A_154 : vector<16xf32>
        %add3A_156 = arith.addf %add3A_145, %mul3A_155 : vector<16xf32>
        scf.yield %add3A_156 : vector<16xf32>
      }
      %scan3A_65 = arith.constant 128 : i32
      %mul3A_66 = arith.constant 16 : i32
      %mul3A_67 = arith.muli %scan3A_54, %mul3A_66 : i32
      %add3A_68 = arith.constant 9984 : i32
      %add3A_69 = arith.addi %add3A_68, %mul3A_67 : i32
      %swap3A = arith.index_cast %add3A_69 : i32 to index
      %swap3A_70 = tpu.vector_load %arg14[%swap3A] {strides = array<i32>} : memref<10048xf32, #tpu.memory_space<vmem>>, vector<16xf32>,
      tpu.vector_store %arg14[%swap3A], %scan3A_64 {strides = array<i32>} : memref<10048xf32, #tpu.memory_space<vmem>>, vector<16xf32>,
    }
    %scan3A_51 = arith.constant 4 : i32
    %mul3A_52 = arith.constant 10000 : i32
    %mul3A_53 = arith.muli %add3A, %mul3A_52 : i32
    "tpu.region"() ({
      %run_scoped3A = tpu.sem_alloc : memref<!tpu.dma_semaphore, #tpu.memory_space<semaphore_mem>>
      %dma_start3A_54 = arith.constant 0 : i32
      %dma_start3A_55 = tpu.memref_slice %arg14[%dma_start3A_54] : memref<10048xf32, #tpu.memory_space<vmem>> -> memref<10000xf32, #tpu.memory_space<vmem>>
      %dma_start3A_56 = tpu.memref_slice %arg5[%mul3A_53] : memref<320000xf32, #tpu.memory_space<hbm>> -> memref<10000xf32, #tpu.memory_space<hbm>>
      %dma_start3A_57 = tpu.memref_slice %arg5[%mul3A_53] : memref<320000xf32, #tpu.memory_space<hbm>> -> memref<10000xf32, #tpu.memory_space<hbm>>
      %dma_start3A_58 = arith.constant 0 : i32
      %dma_start3A_59 = tpu.memref_slice %arg14[%dma_start3A_58] : memref<10048xf32, #tpu.memory_space<vmem>> -> memref<10000xf32, #tpu.memory_space<vmem>>
      tpu.enqueue_dma source(%dma_start3A_59 : memref<10000xf32, #tpu.memory_space<vmem>>) target(%dma_start3A_57 : memref<10000xf32, #tpu.memory_space<hbm>>) target_semaphore(%run_scoped3A : memref<!tpu.dma_semaphore, #tpu.memory_space<semaphore_mem>>)
      %dma_wait3A_60 = arith.constant 0 : i32
      %dma_wait3A_61 = tpu.memref_slice %arg14[%dma_wait3A_60] : memref<10048xf32, #tpu.memory_space<vmem>> -> memref<10000xf32, #tpu.memory_space<vmem>>
      %dma_wait3A_62 = tpu.memref_slice %arg5[%mul3A_53] : memref<320000xf32, #tpu.memory_space<hbm>> -> memref<10000xf32, #tpu.memory_space<hbm>>
      %dma_wait3A_63 = tpu.memref_slice %arg5[%mul3A_53] : memref<320000xf32, #tpu.memory_space<hbm>> -> memref<10000xf32, #tpu.memory_space<hbm>>
      %dma_wait3A_64 = arith.constant 0 : i32
      %dma_wait3A_65 = tpu.memref_slice %arg14[%dma_wait3A_64] : memref<10048xf32, #tpu.memory_space<vmem>> -> memref<10000xf32, #tpu.memory_space<vmem>>
      tpu.wait_dma2 semaphore(%run_scoped3A : memref<!tpu.dma_semaphore, #tpu.memory_space<semaphore_mem>>) src(%dma_wait3A_65 : memref<10000xf32, #tpu.memory_space<vmem>>) dst(%dma_wait3A_63 : memref<10000xf32, #tpu.memory_space<hbm>>)
      tpu.yield
    }) : () -> ()
    return
  }
}

</mosaic_0001>

<sc_bundles>
// kernel: _run.3.cloned.1.call-start
scs
__scs_entry_jumppad:
0x0: {  	(pc) =	sbr.rel $0x88, $3  }
0x1: {  	(tag) =	ssettag $0x0;
	lr =	simm.s32 $0x1  }
0x2: {  	[smem:$0x3F9E] =	sst lr;
	_ =	strace $0xD0000000  }
0x3: {  	_ = 	snop  }
0x4: {  	_ = 	snop  }
0x5: {  	_ = 	snop  }
0x6: {  	_ = 	snop  }
0x7: {  	_ = 	snop  }
__scs_overlays_trampoline_lowered:
0x8: {  	[smem:$0x3FAD] =	sst s0  }
0x9: {  	[smem:$0x3FAE] =	sst s1  }
0xa: {  	[smem:$0x3FAF] =	sst s2  }
0xb: {  	[smem:$0x3FB0] =	sst s3  }
0xc: {  	[smem:$0x3FB1] =	sst s4  }
0xd: {  	[smem:$0x3FB2] =	sst s5  }
0xe: {  	[smem:$0x3FB3] =	sst s6  }
0xf: {  	[smem:$0x3FB4] =	sst s7  }
0x10: {  	[smem:$0x3FB5] =	sst s8  }
0x11: {  	[smem:$0x3FB6] =	sst s9;
	s0 =	simm.s32 @!p0 $0x0  }
0x12: {  	s1 =	sld [smem:$0x3F9C];
	s0 =	simm.s32 @p0 $0x1  }
0x13: {  	[smem:$0x3FB7] =	sst s0;
	s0 =	simm.s32 @!p1 $0x0  }
0x14: {  	s2 =	sld [smem:$0x3F9B];
	s0 =	simm.s32 @p1 $0x1  }
0x15: {  	[smem:$0x3FB8] =	sst s0;
	s0 =	simm.s32 @!p2 $0x0  }
0x16: {  	s3 =	sld [smem:$0x3FDB];
	s0 =	simm.s32 @p2 $0x1  }
0x17: {  	s4 =	simm.s32 $0x1BF5;
	[smem:$0x3FBA] =	sst s0  }
0x18: {  	s0 =	sld [smem:$0x3F9D];
	_ =	swait.ge [sflag:s4], $0x0  }
0x19: {  	s7 =	sld [smem:$0x3F9E]  }
0x1a: {  	s8 =	sadd.s32 $0xFFFFE003, lr  }
0x1b: {  	s9 =	sadd.s32 $0xFFFFFEF7, lr;
	s5 =	simm.s32 $0xFFFFFFFF;
	p2 =	slt.u32 s8, $0xFFFFF086  }
0x1c: {  	p1 =	slt.u32 s9, $0xF7A;
	s5 =	simm.s32 @!p2 $0x0  }
0x1d: {  	s5 =	simm.s32 @p1 $0x1;
	p0 =	seq.s32 s7, s2  }
0x1e: {  	s7 =	smul.u32 @!p0 $0xF7A, s2;
	p2 =	seq.s32 @!p0 s5, $0x0  }
0x1f: {  	s9 =	smul.u32 $0xF7A, s1;
	s8 =	simm.s32 @!p0 $0x1BF5;
	p2 =	por !p2, p0  }
0x20: {  	[sflag:s8] =	ssyncset.s32 @!p0 $0xFFFFF086;
	s6 =	sadd.s32 @!p0 s3, s7;
	s7 =	simm.s32 @!p0 $0x108  }
0x21: {  	s3 =	sadd.s32 s3, s9;
	s6 =	sadd.s32 @!p0 $0x88, s6;
	s7 =	simm.s32 @p2 $0x1082  }
0x22: {  	[simem:s7], [sflag:s8] =	dma.local @!p0 [hbm:s6], $0xF7A  }
0x23: {  	s9 =	sor.u32 $0xD0000000, s2;
	s6 =	simm.s32 $0x108;
	_ =	swait.ge @!p0 [sflag:s8], $0x0  }
0x24: {  	s3 =	sadd.s32 $0x88, s3;
	s6 =	simm.s32 @!p1 $0x1082;
	[sflag:s4] =	ssyncset.s32 $0xFFFFF086  }
0x25: {  	[simem:s6], [sflag:s4] =	dma.local [hbm:s3], $0xF7A  }
0x26: {  	[smem:$0x3F9E] =	sst s1;
	(tag) =	ssettag s2;
	_ =	strace s9  }
0x27: {  	s1 =	sld [smem:$0x3FAE]  }
0x28: {  	s2 =	sld [smem:$0x3FAF]  }
0x29: {  	s4 =	sld [smem:$0x3FB1]  }
0x2a: {  	p0 =	seq.s32 s5, $0x0;
	s5 =	sld [smem:$0x3FB2]  }
0x2b: {  	s6 =	sld [smem:$0x3FB3]  }
0x2c: {  	s7 =	sld [smem:$0x3FB4]  }
0x2d: {  	s3 =	simm.s32 $0x108;
	s8 =	sld [smem:$0x3FB5]  }
0x2e: {  	s3 =	simm.s32 @!p0 $0x1082;
	s9 =	sld [smem:$0x3FB6]  }
0x2f: {  	lr =	sadd.s32 s0, s3;
	s0 =	sld [smem:$0x3FAD]  }
0x30: {  	s3 =	sld [smem:$0x3FB0]  }
0x31: {  	[smem:$0x3FB9] =	sst s10  }
0x32: {  	s10 =	sld [smem:$0x3FB7];
	_ =	sdelay $0x3  }
0x33: {  	p0 =	seq.s32 s10, $0x1;
	s10 =	sld [smem:$0x3FB9];
	_ =	sdelay $0x3  }
0x34: {  	[smem:$0x3FB9] =	sst s10  }
0x35: {  	s10 =	sld [smem:$0x3FB8];
	_ =	sdelay $0x3  }
0x36: {  	p1 =	seq.s32 s10, $0x1;
	s10 =	sld [smem:$0x3FB9];
	_ =	sdelay $0x3  }
0x37: {  	[smem:$0x3FB9] =	sst s10  }
0x38: {  	s10 =	sld [smem:$0x3FBA]  }
0x39: {  	_ = 	snop;
	(pc) =	sbr.ind lr, $3  }
0x3a: {  	_ = 	snop  }
0x3b: {  	_ = 	snop  }
0x3c: {  	p2 =	seq.s32 s10, $0x1;
	s10 =	sld [smem:$0x3FB9]  }
0x3d: {  	_ =	shalt  }
0x3e: {  	_ =	shalt  }
0x3f: {  	_ =	shalt  }
0x40: {  	_ =	shalt  }
0x41: {  	_ =	shalt  }
0x42: {  	_ =	shalt  }
0x43: {  	_ =	shalt  }
0x44: {  	_ =	shalt  }
0x45: {  	_ =	shalt  }
0x46: {  	_ =	shalt  }
0x47: {  	_ =	shalt  }
0x48: {  	_ =	shalt  }
0x49: {  	_ =	shalt  }
0x4a: {  	_ =	shalt  }
0x4b: {  	_ =	shalt  }
0x4c: {  	_ =	shalt  }
0x4d: {  	_ =	shalt  }
0x4e: {  	_ =	shalt  }
0x4f: {  	_ =	shalt  }
0x50: {  	_ =	shalt  }
0x51: {  	_ =	shalt  }
0x52: {  	_ =	shalt  }
0x53: {  	_ =	shalt  }
0x54: {  	_ =	shalt  }
0x55: {  	_ =	shalt  }
0x56: {  	_ =	shalt  }
0x57: {  	_ =	shalt  }
0x58: {  	_ =	shalt  }
0x59: {  	_ =	shalt  }
0x5a: {  	_ =	shalt  }
0x5b: {  	_ =	shalt  }
0x5c: {  	_ =	shalt  }
0x5d: {  	_ =	shalt  }
0x5e: {  	_ =	shalt  }
0x5f: {  	_ =	shalt  }
0x60: {  	_ =	shalt  }
0x61: {  	_ =	shalt  }
0x62: {  	_ =	shalt  }
0x63: {  	_ =	shalt  }
0x64: {  	_ =	shalt  }
0x65: {  	_ =	shalt  }
0x66: {  	_ =	shalt  }
0x67: {  	_ =	shalt  }
0x68: {  	_ =	shalt  }
0x69: {  	_ =	shalt  }
0x6a: {  	_ =	shalt  }
0x6b: {  	_ =	shalt  }
0x6c: {  	_ =	shalt  }
0x6d: {  	_ =	shalt  }
0x6e: {  	_ =	shalt  }
0x6f: {  	_ =	shalt  }
0x70: {  	_ =	shalt  }
0x71: {  	_ =	shalt  }
0x72: {  	_ =	shalt  }
0x73: {  	_ =	shalt  }
0x74: {  	_ =	shalt  }
0x75: {  	_ =	shalt  }
0x76: {  	_ =	shalt  }
0x77: {  	_ =	shalt  }
0x78: {  	_ =	shalt  }
0x79: {  	_ =	shalt  }
0x7a: {  	_ =	shalt  }
0x7b: {  	_ =	shalt  }
0x7c: {  	_ =	shalt  }
0x7d: {  	_ =	shalt  }
0x7e: {  	_ =	shalt  }
0x7f: {  	_ =	shalt  }
0x80: {  	_ =	shalt  }
0x81: {  	_ =	shalt  }
0x82: {  	_ =	shalt  }
0x83: {  	_ =	shalt  }
0x84: {  	_ =	shalt  }
0x85: {  	_ =	shalt  }
0x86: {  	_ =	shalt  }
0x87: {  	_ =	shalt  }
.Lfunc_end0:
.L_simem_size_0:
called_computation_lowered:
.L_overlay_start_0:
0x88: {  	s2 =	sld [smem:$0x3FD9]  }
0x89: {  	s3 =	sld [smem:$0x3FFE];
	_ =	sdelay $0x1  }
0x8a: {  	s1 =	srdreg.scid  }
0x8b: {  	s0 =	sand.u32 $0x1, s1  }
0x8c: {  	s18 =	sshll.u32 s0, $0xA;
	s2 =	sadd.s32 s3, s2  }
0x8d: {  	s2 =	sadd.s32 s2, s18  }
0x8e: {  	[smem:$0x3FC5] =	sst s2  }
0x8f: {  	_ = 	snop  }
0x90: {  	s2 =	sld [smem:$0x3FC9]  }
0x91: {  	s19 =	sld [smem:$0x3FC8]  }
0x92: {  	s4 =	sld [smem:$0x3FC7]  }
0x93: {  	s5 =	sld [smem:$0x3FD0];
	(tm) =	ssettm $0x1  }
0x94: {  	s6 =	sld [smem:$0x3FFB];
	_ =	sdelay $0x3  }
0x95: {  	_ =	strace s6  }
0x96: {  	s6 =	sld [smem:$0x3FFC];
	_ =	sdelay $0x3  }
0x97: {  	_ =	strace s6  }
0x98: {  	s6 =	sld [smem:$0x3FFD];
	_ =	sdelay $0x3  }
0x99: {  	_ =	strace s6  }
0x9a: {  	_ =	strace $0x8FFFFFFF  }
0x9b: {  	s20 =	sld [smem:$0x3FDB];
	_ =	sdelay $0x1  }
0x9c: {  	s7 =	simm.s32 $_scs_section_size  }
0x9d: {  	s8 =	simm.s32 $_size__tile_overlayer_lowered;
	s9 =	simm.s32 $_tile_overlayer_lowered  }
0x9e: {  	s23 =	simm.s32 $0x1BFF;
	s22 =	sshll.u32 s9, $0x1;
	s6 =	sadd.s32 s7, s20  }
0x9f: {  	s10 =	simm.s32 $0x0;
	s21 =	sshll.u32 s8, $0x1;
	s8 =	sadd.s32 s22, s6  }
0xa0: {  	[timem:s10], [sflag:s23] =	dma.local [hbm:s8], s21  }
0xa1: {  	_ =	swait.ge [sflag:s23], s21  }
0xa2: {  	s7 =	ssub.s32 $0x0, s21;
	[sflag:s23] =	ssyncset.done $0x0  }
0xa3: {  	[sflag:s23] =	ssyncadd.s32 s7;
	_ =	sdelay $0x1  }
0xa4: {  	s24 =	simm.s32 $0x1B8B  }
0xa5: {  	_ =	swait.ge [sflag:s24], $0x1  }
0xa6: {  	[sflag:s24] =	ssyncset.done $0x0  }
0xa7: {  	s25 =	simm.s32 $0x1B8E;
	[sflag:s24] =	ssyncadd.s32 $0xFFFFFFFF  }
0xa8: {  	s26 =	simm.s32 $execute0_lowered;
	[smem:$0x3FD2] =	sst s25  }
0xa9: {  	s7 =	sshll.u32 s26, $0x1;
	_ =	strace $0x80000046;
	[dreg:$0x1] =	wrdreg $0xFFFFFFFF  }
0xaa: {  	s28 =	simm.s32 $_size_execute0_lowered;
	s6 =	sadd.s32 s6, s7;
	[dreg:$0x0] =	wrdreg $0x0  }
0xab: {  	s7 =	sshll.u32 s28, $0x1;
	[dreg:$0x2] =	wrdreg s6  }
0xac: {  	[dreg:$0x3] =	wrdreg s7  }
0xad: {  	[dreg:$0x4] =	wrdreg $0xC0  }
0xae: {  	_ =	task [dreg:s10], $0x5FFFF  }
0xaf: {  	[dreg:$0x1] =	wrdreg $0xFFFFFFFF  }
0xb0: {  	[dreg:$0x0] =	wrdreg $0x60  }
0xb1: {  	[dreg:$0x2] =	wrdreg s2  }
0xb2: {  	[dreg:$0x3] =	wrdreg s19  }
0xb3: {  	[dreg:$0x4] =	wrdreg s4  }
0xb4: {  	[dreg:$0x5] =	wrdreg s5  }
0xb5: {  	[dreg:$0x6] =	wrdreg $0xA9800  }
0xb6: {  	[dreg:$0x7] =	wrdreg $0x9  }
0xb7: {  	_ =	task.clear_ibuf [dreg:s10], $0x8FFFF;
	_ =	strace $0x90000046  }
0xb8: {  	s29 =	simm.s32 $0x9;
	_ =	strace $0x80000048  }
0xb9: {  	_ =	swait.ge [sflag:s29], $0x1  }
0xba: {  	[sflag:s29] =	ssyncadd.s32 $0xFFFFFFFF  }
0xbb: {  	_ =	strace $0x90000048  }
0xbc: {  	_ =	sfence  }
0xbd: {  	s30 =	sld [smem:$0x0];
	_ =	sdelay $0x2  }
0xbe: {  	s31 =	sshll.u32 s1, $0xD;
	s1 =	sshrl.u32 s1, $0x2  }
0xbf: {  	s3 =	sand.u32 $0x4000, s31;
	s1 =	sadd.s32 s1, s30  }
0xc0: {  	s0 =	sor.u32 s3, s0;
	s1 =	sshll.u32 s1, $0x11  }
0xc1: {  	s0 =	sor.u32 s1, s0  }
0xc2: {  	s0 =	sadd.s32 $0x8F2B, s0  }
0xc3: {  	[sflag:s0] =	ssyncadd.remote.s32 $0x1  }
0xc4: {  	_ =	sfence.sel $0xFFFF  }
0xc5: {  	[dreg:$0x0] =	wrdreg $0xFFFFFFFF;
	(pc) =	sbr.abs _section_cstart, $3  }
0xc6: {  	[dreg:$0x1] =	wrdreg $0xFFFFFFFF  }
0xc7: {  	_ =	task.clear_ibuf [dreg:s10], $0x2FFFF;
	_ =	strace $0x9FFFFFFF  }
0xc8: {  	(tm) =	ssettm $0x7FFFFFFF  }
0xc9: {  	_ =	shalt  }
tec
execute0_lowered:
.L_overlay_start_1:
0x0: {  	(tag) =	ssettag $0x1  }
0x1: {  	s0 =	rddreg [dreg:$0x0]  }
0x2: {  	s1 =	rddreg [dreg:$0x1]  }
0x3: {  	s2 =	rddreg [dreg:$0x2]  }
0x4: {  	s5 =	rddreg [dreg:$0x3]  }
0x5: {  	s3 =	rddreg [dreg:$0x4]  }
0x6: {  	s4 =	simm.s32 $0x0;
	s6 =	srdreg.scid;
	s12 =	stileid.u32  }
0x7: {  	s18 =	simm.s32 $0x5;
	s28 =	simm.s32 $0x2;
	s29 =	simm.s32 $0x4200  }
0x8: {  	s30 =	simm.s32 $0x6200;
	s31 =	simm.s32 $0x3;
	[smem:$0x7FF] =	sst s4  }
0x9: {  	s6 =	sand.u32 $0x1, s6;
	s9 =	sshll.u32 s12, $0x1;
	s10 =	smul.u32 $0x4E000, s12  }
0xa: {  	s19 =	smul.u32 $0x2700, s12;
	s21 =	sshll.u32 s12, $0x6;
	p0 =	sne.s32 s12, $0xF  }
0xb: {  	_ =	strace $0x80000047;
	s7 =	ssub.s32 $0x2, s6;
	s6 =	sor.u32 s6, s9  }
0xc: {  	s8 =	sshrl.u32 s7, $0x1;
	s20 =	sshrl.u32 s10, $0x2;
	s6 =	smul.u32 $0x2710, s6  }
0xd: {  	s10 =	sadd.s32 $0x138000, s3;
	s8 =	ssub.s32 s7, s8;
	s9 =	sadd.s32 s20, s3  }
0xe: {  	s7 =	sadd.s32 s0, s19;
	s0 =	sadd.s32 $0x27000, s0;
	s19 =	sshrl.u32 @!p0 s10, $0x3  }
0xf: {  	s20 =	simm.s32 $0x80;
	[dreg:$0x6] =	wrdreg s7;
	s7 =	sor.u32 $0x1C05, s21  }
0x10: {  	[dreg:$0x7] =	wrdreg s0;
	s22 =	sshrl.u32 s6, $0x3;
	s14 =	sadd.s32 $0xC0, s6  }
0x11: {  	s25 =	smax.u32 s8, $0x1;
	s26 =	sshrl.u32 s9, $0x3;
	s21 =	simm.s32 $0x100  }
0x12: {  	s11 =	sadd.s32 s1, s22;
	s23 =	sadd.s32 s2, s22;
	[dreg:$0xd] =	wrdreg s25  }
0x13: {  	s24 =	sadd.s32 $0x8, s22;
	s0 =	sadd.s32 s5, s22;
	[dreg:$0xe] =	wrdreg s26  }
0x14: {  	s22 =	simm.s32 $0x180;
	s25 =	simm.s32 $0x200;
	[dreg:$0x8] =	wrdreg s11  }
0x15: {  	s26 =	simm.s32 $0x2200;
	s5 =	simm.s32 $0x0;
	[dreg:$0x9] =	wrdreg s23  }
0x16: {  	s13 =	sadd.s32 s1, s24;
	s11 =	sadd.s32 s2, s24;
	[dreg:$0xc] =	wrdreg s0  }
0x17: {  	v0 =	vlaneseq.u32;
	s23 =	simm.s32 $0x1;
	s24 =	simm.s32 $0x40;
	[dreg:$0xa] =	wrdreg s13  }
0x18: {  	v1 =	vmul.u32 $0x80, v0;
	s0 =	simm.s32 $0x4;
	[dreg:$0xb] =	wrdreg s11;
	s13 =	sadd.s32 $0x80, s6  }
.LBB2_1:
0x19: {  	s6 =	rddreg [dreg:$0x6]  }
0x1a: {  	s8 =	rddreg [dreg:$0xe]  }
0x1b: {  	[spmem:s8], [sflag:s7] =	dma.local [hbm:s6], $0x2700  }
0x1c: {  	_ =	swait.ge [sflag:s18], $0x2700  }
0x1d: {  	[sflag:s18] =	ssyncset.done $0x0  }
0x1e: {  	s6 =	rddreg [dreg:$0x7];
	[sflag:s18] =	ssyncadd.s32 $0xFFFFD900  }
0x1f: {  	[spmem:s19], [sflag:s7] =	dma.local @!p0 [hbm:s6], $0x100  }
0x20: {  	s6 =	simm.s32 @!p0 $0x5  }
0x21: {  	_ =	swait.ge @!p0 [sflag:s6], $0x100  }
0x22: {  	[sflag:s6] =	ssyncset.done @!p0 $0x0  }
0x23: {  	s12 =	rddreg [dreg:$0x8];
	[sflag:s6] =	ssyncadd.s32 @!p0 $0xFFFFFF00  }
0x24: {  	[tilespmem:s4], [sflag:$0x1] =	stream.linear.gather [hbm4b:s12+s4], $0x40, $0x38;
	[tilespmem:$0x1E200] =	vst v63  }
0x25: {  	s15 =	rddreg [dreg:$0x9]  }
0x26: {  	[tilespmem:s20], [sflag:$0x1] =	stream.linear.gather [hbm4b:s15+s4], $0x40, $0x38;
	[tilespmem:$0x1E200] =	vst v63  }
0x27: {  	s16 =	rddreg [dreg:$0xa]  }
0x28: {  	[tilespmem:s21], [sflag:$0x2] =	stream.linear.gather [hbm4b:s16+s4], $0x40, $0x38;
	[tilespmem:$0x1E200] =	vst v63  }
0x29: {  	s17 =	rddreg [dreg:$0xb]  }
0x2a: {  	[tilespmem:s22], [sflag:$0x2] =	stream.linear.gather [hbm4b:s17+s4], $0x40, $0x38;
	[tilespmem:$0x1E200] =	vst v63  }
0x2b: {  	[bflag:$0x0] =	sbarrier.arrive $0xFFFF  }
0x2c: {  	_ =	swait.ge [sflag:s23], $0x40  }
0x2d: {  	[sflag:s23] =	ssyncset.done $0x0  }
0x2e: {  	[sflag:s23] =	ssyncadd.s32 $0xFFFFFFC0  }
0x2f: {  	_ =	swait.ge [sflag:s23], $0x40  }
0x30: {  	[sflag:s23] =	ssyncset.done $0x0  }
0x31: {  	[sflag:s23] =	ssyncadd.s32 $0xFFFFFFC0  }
0x32: {  	[tilespmem:s25], [sflag:$0x3] =	stream.indirect.gather [spmem:s3], $0x80, s4, s24, $0xb8;
	[tilespmem:$0x1E200] =	vst v63  }
0x33: {  	s6 =	simm.s32 $0x0  }
0x34: {  	[tilespmem:s26], [sflag:$0x3] =	stream.indirect.gather [spmem:s3], $0x80, s20, s24, $0xb8;
	[tilespmem:$0x1E200] =	vst v63  }
.LBB2_2:
0x35: {  	_ =	swait.ge [sflag:s28], $0x40  }
0x36: {  	[sflag:s28] =	ssyncset.done $0x0  }
0x37: {  	[sflag:s28] =	ssyncadd.s32 $0xFFFFFFC0  }
0x38: {  	_ =	swait.ge [sflag:s28], $0x40  }
0x39: {  	[sflag:s28] =	ssyncset.done $0x0  }
0x3a: {  	[sflag:s28] =	ssyncadd.s32 $0xFFFFFFC0  }
0x3b: {  	[tilespmem:s29], [sflag:$0x4] =	stream.indirect.gather [spmem:s3], $0x80, s21, s24, $0xb8;
	[tilespmem:$0x1E200] =	vst v63  }
0x3c: {  	_ = 	snop  }
0x3d: {  	[tilespmem:s30], [sflag:$0x4] =	stream.indirect.gather [spmem:s3], $0x80, s22, s24, $0xb8;
	[tilespmem:$0x1E200] =	vst v63  }
0x3e: {  	_ =	swait.ge [sflag:s31], $0x2000  }
0x3f: {  	[sflag:s31] =	ssyncset.done $0x0  }
0x40: {  	s8 =	sshll.u32 s6, $0x7;
	[sflag:s31] =	ssyncadd.s32 $0xFFFFE000  }
0x41: {  	s9 =	sand.u32 $0x3FFFFF80, s8;
	_ =	swait.ge [sflag:s31], $0x2000  }
0x42: {  	s11 =	sadd.s32 $0x8200, s9;
	[sflag:s31] =	ssyncset.done $0x0  }
0x43: {  	s10 =	simm.s32 $0x0;
	v2 =	vmov s11;
	s11 =	simm.s32 $0x0;
	[sflag:s31] =	ssyncadd.s32 $0xFFFFE000  }
.LBB2_3:
0x44: {  	s12 =	sshll.u32 s11, $0x4  }
0x45: {  	v3 =	vmov s12  }
0x46: {  	v4 =	vadd.s32 s10, v0;
	v3 =	vshll.u32 v3, $0x7  }
0x47: {  	s15 =	simm.s32 $0x1;
	v4 =	vand.u32 $0x7F, v4;
	v3 =	vor.u32 v1, v3  }
0x48: {  	v5 =	vadd.s32 s15, v0;
	v4 =	vor.u32 v3, v4  }
0x49: {  	s16 =	simm.s32 $0x2;
	v5 =	vand.u32 $0x7F, v5  }
0x4a: {  	v6 =	vadd.s32 s16, v0;
	v5 =	vor.u32 v3, v5  }
0x4b: {  	s17 =	simm.s32 $0x3;
	v6 =	vand.u32 $0x7F, v6  }
0x4c: {  	v7 =	vadd.s32 s17, v0;
	v6 =	vor.u32 v3, v6  }
0x4d: {  	s16 =	simm.s32 $0x4;
	v7 =	vand.u32 $0x7F, v7;
	v10 =	vld.idx.msk [tilespmem:v4+s25+$0x0], $0xffff  }
0x4e: {  	v8 =	vadd.s32 s16, v0;
	v7 =	vor.u32 v3, v7;
	v11 =	vld.idx.msk [tilespmem:v4+s26+$0x0], $0xffff  }
0x4f: {  	s17 =	simm.s32 $0x5;
	v12 =	vld.idx.msk [tilespmem:v5+s25+$0x0], $0xffff;
	v4 =	vand.u32 $0x7F, v8  }
0x50: {  	v8 =	vadd.s32 s17, v0;
	v13 =	vld.idx.msk [tilespmem:v5+s26+$0x0], $0xffff;
	v16 =	vor.u32 v3, v4  }
0x51: {  	s16 =	simm.s32 $0x6;
	v9 =	vld.idx.msk [tilespmem:v6+s26+$0x0], $0xffff;
	v5 =	vand.u32 $0x7F, v8  }
0x52: {  	v4 =	vld.idx.msk [tilespmem:v6+s25+$0x0], $0xffff;
	v6 =	vadd.s32 s16, v0;
	v8 =	vor.u32 v3, v5  }
0x53: {  	s16 =	simm.s32 $0x7;
	v5 =	vld.idx.msk [tilespmem:v7+s25+$0x0], $0xffff;
	v6 =	vand.u32 $0x7F, v6  }
0x54: {  	s15 =	simm.s32 $0x8;
	v15 =	vmul.f32 v11, v10;
	v11 =	vld.idx.msk [tilespmem:v7+s26+$0x0], $0xffff;
	v7 =	vadd.s32 s16, v0;
	v10 =	vor.u32 v3, v6  }
0x55: {  	v14 =	vimm.f32 $0.0e+00;
	v17 =	vadd.s32 s15, v0;
	v6 =	vld.idx.msk [tilespmem:v16+s25+$0x0], $0xffff;
	v7 =	vand.u32 $0x7F, v7  }
0x56: {  	s17 =	simm.s32 $0x9;
	v14 =	vadd.f32 v15, v14;
	v15 =	vmul.f32 v13, v12;
	v13 =	vld.idx.msk [tilespmem:v16+s26+$0x0], $0xffff;
	v12 =	vor.u32 v3, v7  }
0x57: {  	v17 =	vand.u32 $0x7F, v17;
	s16 =	simm.s32 $0x10;
	v16 =	vadd.s32 s17, v0;
	v7 =	vld.idx.msk [tilespmem:v8+s25+$0x0], $0xffff  }
.LBB2_4:
0x58: {  	p1 =	slt.u32 s16, $0x78;
	v17 =	vor.u32 v3, v17;
	s17 =	sadd.s32 $0x2, s15;
	v14 =	vadd.f32 v15, v14;
	v4 =	vmul.f32 v9, v4;
	v8 =	vld.idx.msk [tilespmem:v8+s26+$0x0], $0xffff  }
0x59: {  	v9 =	vand.u32 $0x7F, v16;
	v15 =	vadd.s32 s17, v0;
	v16 =	vld.idx.msk [tilespmem:v10+s25+$0x0], $0xffff  }
0x5a: {  	v9 =	vor.u32 v3, v9;
	s17 =	sadd.s32 $0x3, s15;
	v5 =	vmul.f32 v11, v5;
	v4 =	vadd.f32 v4, v14;
	v10 =	vld.idx.msk [tilespmem:v10+s26+$0x0], $0xffff  }
0x5b: {  	v11 =	vand.u32 $0x7F, v15;
	v14 =	vadd.s32 s17, v0;
	v15 =	vld.idx.msk [tilespmem:v12+s25+$0x0], $0xffff  }
0x5c: {  	s17 =	sadd.s32 $0x4, s15;
	v11 =	vor.u32 v3, v11;
	v4 =	vadd.f32 v5, v4;
	v5 =	vmul.f32 v13, v6;
	v6 =	vld.idx.msk [tilespmem:v12+s26+$0x0], $0xffff  }
0x5d: {  	v13 =	vand.u32 $0x7F, v14;
	v14 =	vadd.s32 s17, v0;
	v12 =	vld.idx.msk [tilespmem:v17+s25+$0x0], $0xffff  }
0x5e: {  	s17 =	sadd.s32 $0x5, s15;
	v13 =	vor.u32 v3, v13;
	v17 =	vld.idx.msk [tilespmem:v17+s26+$0x0], $0xffff;
	v4 =	vadd.f32 v5, v4;
	v5 =	vmul.f32 v8, v7  }
0x5f: {  	v8 =	vand.u32 $0x7F, v14;
	v14 =	vadd.s32 s17, v0;
	v7 =	vld.idx.msk [tilespmem:v9+s25+$0x0], $0xffff  }
0x60: {  	s17 =	sadd.s32 $0x6, s15;
	v19 =	vor.u32 v3, v8;
	v10 =	vmul.f32 v10, v16;
	v18 =	vld.idx.msk [tilespmem:v9+s26+$0x0], $0xffff;
	v5 =	vadd.f32 v5, v4  }
0x61: {  	v8 =	vand.u32 $0x7F, v14;
	v14 =	vadd.s32 s17, v0;
	v4 =	vld.idx.msk [tilespmem:v11+s25+$0x0], $0xffff  }
0x62: {  	s17 =	sadd.s32 $0x7, s15;
	s15 =	smov.u32 s16;
	v8 =	vor.u32 v3, v8;
	v6 =	vmul.f32 v6, v15;
	v9 =	vld.idx.msk [tilespmem:v11+s26+$0x0], $0xffff;
	v16 =	vadd.f32 v10, v5  }
.Ltmp0:
0x63: {  	v10 =	vand.u32 $0x7F, v14;
	v14 =	vadd.s32 s17, v0;
	v5 =	vld.idx.msk [tilespmem:v13+s25+$0x0], $0xffff;
	(pc) =	sbr.rel @p1 .LBB2_4-.Ltmp0, $4  }
0x64: {  	v12 =	vmul.f32 v17, v12;
	v10 =	vor.u32 v3, v10;
	v11 =	vld.idx.msk [tilespmem:v13+s26+$0x0], $0xffff;
	v13 =	vadd.f32 v6, v16  }
0x65: {  	v17 =	vand.u32 $0x7F, v14;
	v16 =	vadd.s32 s16, v0;
	v6 =	vld.idx.msk [tilespmem:v19+s25+$0x0], $0xffff  }
0x66: {  	s17 =	sadd.s32 $0x1, s16;
	v15 =	vmul.f32 v18, v7;
	v14 =	vadd.f32 v12, v13;
	v13 =	vld.idx.msk [tilespmem:v19+s26+$0x0], $0xffff;
	v12 =	vor.u32 v3, v17  }
0x67: {  	s16 =	sadd.s32 $0x8, s16;
	v17 =	vand.u32 $0x7F, v16;
	v16 =	vadd.s32 s17, v0;
	v7 =	vld.idx.msk [tilespmem:v8+s25+$0x0], $0xffff  }
0x68: {  	_ =	sdelay $0x2  }
0x69: {  	v14 =	vadd.f32 v15, v14;
	v4 =	vmul.f32 v9, v4  }
0x6a: {  	v32 =	vor.u32 v3, v17;
	v8 =	vld.idx.msk [tilespmem:v8+s26+$0x0], $0xffff  }
0x6b: {  	s16 =	sadd.s32 $0x2, s15;
	v33 =	vand.u32 $0x7F, v16;
	v34 =	vld.idx.msk [tilespmem:v10+s25+$0x0], $0xffff;
	v5 =	vmul.f32 v11, v5;
	v4 =	vadd.f32 v4, v14  }
0x6c: {  	v37 =	vld.idx.msk [tilespmem:v10+s26+$0x0], $0xffff;
	v35 =	vadd.s32 s16, v0;
	v36 =	vor.u32 v3, v33  }
0x6d: {  	s17 =	sadd.s32 $0x3, s15;
	v38 =	vld.idx.msk [tilespmem:v12+s25+$0x0], $0xffff;
	v11 =	vand.u32 $0x7F, v35;
	v39 =	vmul.f32 v13, v6;
	v4 =	vadd.f32 v5, v4  }
0x6e: {  	v41 =	vld.idx.msk [tilespmem:v12+s26+$0x0], $0xffff;
	v40 =	vadd.s32 s17, v0;
	v11 =	vor.u32 v3, v11  }
0x6f: {  	s17 =	sadd.s32 $0x4, s15;
	v6 =	vand.u32 $0x7F, v40;
	v42 =	vld.idx.msk [tilespmem:v32+s25+$0x0], $0xffff;
	v43 =	vmul.f32 v8, v7;
	v4 =	vadd.f32 v39, v4  }
0x70: {  	v44 =	vadd.s32 s17, v0;
	v6 =	vor.u32 v3, v6;
	v45 =	vld.idx.msk [tilespmem:v32+s26+$0x0], $0xffff  }
0x71: {  	s17 =	sadd.s32 $0x5, s15;
	v7 =	vand.u32 $0x7F, v44;
	v47 =	vmul.f32 v37, v34;
	v46 =	vld.idx.msk [tilespmem:v36+s25+$0x0], $0xffff;
	v4 =	vadd.f32 v43, v4  }
0x72: {  	v48 =	vadd.s32 s17, v0;
	v14 =	vld.idx.msk [tilespmem:v36+s26+$0x0], $0xffff;
	v7 =	vor.u32 v3, v7  }
0x73: {  	s17 =	sadd.s32 $0x6, s15;
	v10 =	vand.u32 $0x7F, v48;
	v50 =	vmul.f32 v41, v38;
	v49 =	vld.idx.msk [tilespmem:v11+s25+$0x0], $0xffff;
	v4 =	vadd.f32 v47, v4  }
0x74: {  	v51 =	vadd.s32 s17, v0;
	v10 =	vor.u32 v3, v10;
	v11 =	vld.idx.msk [tilespmem:v11+s26+$0x0], $0xffff  }
0x75: {  	s17 =	sadd.s32 $0x7, s15;
	v12 =	vand.u32 $0x7F, v51;
	v52 =	vld.idx.msk [tilespmem:v6+s25+$0x0], $0xffff;
	v8 =	vmul.f32 v45, v42;
	v4 =	vadd.f32 v50, v4  }
0x76: {  	v53 =	vadd.s32 s17, v0;
	v12 =	vor.u32 v3, v12;
	v6 =	vld.idx.msk [tilespmem:v6+s26+$0x0], $0xffff  }
0x77: {  	v5 =	vand.u32 $0x7F, v53;
	v54 =	vld.idx.msk [tilespmem:v7+s25+$0x0], $0xffff;
	v55 =	vmul.f32 v14, v46;
	v4 =	vadd.f32 v8, v4  }
0x78: {  	v3 =	vor.u32 v3, v5;
	v7 =	vld.idx.msk [tilespmem:v7+s26+$0x0], $0xffff  }
0x79: {  	v56 =	vld.idx.msk [tilespmem:v10+s25+$0x0], $0xffff;
	v57 =	vmul.f32 v11, v49;
	v4 =	vadd.f32 v55, v4  }
0x7a: {  	v58 =	vld.idx.msk [tilespmem:v10+s26+$0x0], $0xffff  }
0x7b: {  	v59 =	vld.idx.msk [tilespmem:v12+s25+$0x0], $0xffff;
	v6 =	vmul.f32 v6, v52;
	v4 =	vadd.f32 v57, v4  }
0x7c: {  	v60 =	vld.idx.msk [tilespmem:v12+s26+$0x0], $0xffff  }
0x7d: {  	v61 =	vld.idx.msk [tilespmem:v3+s25+$0x0], $0xffff;
	v62 =	vmul.f32 v7, v54;
	v4 =	vadd.f32 v6, v4  }
0x7e: {  	v3 =	vld.idx.msk [tilespmem:v3+s26+$0x0], $0xffff  }
0x7f: {  	v5 =	vmul.f32 v58, v56;
	v4 =	vadd.f32 v62, v4;
	_ =	sdelay $0x1  }
0x80: {  	s11 =	sadd.s32 $0x1, s11;
	v63 =	vmul.f32 v60, v59;
	v4 =	vadd.f32 v5, v4  }
0x81: {  	p1 =	sne.s32 s11, $0x4  }
.Ltmp1:
0x82: {  	v3 =	vmul.f32 v3, v61;
	v4 =	vadd.f32 v63, v4;
	(pc) =	sbr.rel @p1 .LBB2_3-.Ltmp1, $3  }
0x83: {  	_ = 	snop  }
0x84: {  	v3 =	vadd.f32 v3, v4;
	_ =	sdelay $0x1  }
0x85: {  	[tilespmem:v2+s12+$0x0 ss:$0x1] =	vst.idx.msk $0xffff, v3  }
0x86: {  	s10 =	sadd.s32 s8, s13  }
0x87: {  	s11 =	sshrl.u32 s10, $0x3  }
0x88: {  	s10 =	simm.s32 $0x0;
	s12 =	sadd.s32 s1, s11  }
0x89: {  	[tilespmem:s10], [sflag:$0x1] =	stream.linear.gather [hbm4b:s12+s10], $0x40, $0x38;
	[tilespmem:$0x1E200] =	vst v63  }
0x8a: {  	s11 =	sadd.s32 s2, s11  }
0x8b: {  	[tilespmem:s20], [sflag:$0x1] =	stream.linear.gather [hbm4b:s11+s10], $0x40, $0x38;
	[tilespmem:$0x1E200] =	vst v63  }
0x8c: {  	_ =	swait.ge [sflag:s0], $0x2000  }
0x8d: {  	[sflag:s0] =	ssyncset.done $0x0  }
0x8e: {  	[sflag:s0] =	ssyncadd.s32 $0xFFFFE000  }
0x8f: {  	_ =	swait.ge [sflag:s0], $0x2000  }
0x90: {  	s9 =	sadd.s32 $0x8240, s9;
	[sflag:s0] =	ssyncset.done $0x0  }
0x91: {  	v2 =	vmov s9;
	s9 =	simm.s32 $0x0;
	[sflag:s0] =	ssyncadd.s32 $0xFFFFE000  }
.LBB2_7:
0x92: {  	s11 =	sshll.u32 s9, $0x4  }
0x93: {  	v3 =	vmov s11  }
0x94: {  	v4 =	vadd.s32 s10, v0;
	v3 =	vshll.u32 v3, $0x7  }
0x95: {  	s12 =	simm.s32 $0x1;
	v4 =	vand.u32 $0x7F, v4;
	v3 =	vor.u32 v1, v3  }
0x96: {  	v5 =	vadd.s32 s12, v0;
	v4 =	vor.u32 v3, v4  }
0x97: {  	s15 =	simm.s32 $0x2;
	v5 =	vand.u32 $0x7F, v5  }
0x98: {  	v6 =	vadd.s32 s15, v0;
	v5 =	vor.u32 v3, v5  }
0x99: {  	s16 =	simm.s32 $0x3;
	v6 =	vand.u32 $0x7F, v6  }
0x9a: {  	v7 =	vadd.s32 s16, v0;
	v6 =	vor.u32 v3, v6  }
0x9b: {  	s17 =	simm.s32 $0x4;
	v7 =	vand.u32 $0x7F, v7;
	v10 =	vld.idx.msk [tilespmem:v4+s29+$0x0], $0xffff  }
0x9c: {  	v8 =	vadd.s32 s17, v0;
	v7 =	vor.u32 v3, v7;
	v11 =	vld.idx.msk [tilespmem:v4+s30+$0x0], $0xffff  }
0x9d: {  	s15 =	simm.s32 $0x5;
	v12 =	vld.idx.msk [tilespmem:v5+s29+$0x0], $0xffff;
	v4 =	vand.u32 $0x7F, v8  }
0x9e: {  	v8 =	vadd.s32 s15, v0;
	v13 =	vld.idx.msk [tilespmem:v5+s30+$0x0], $0xffff;
	v16 =	vor.u32 v3, v4  }
0x9f: {  	s16 =	simm.s32 $0x6;
	v9 =	vld.idx.msk [tilespmem:v6+s30+$0x0], $0xffff;
	v5 =	vand.u32 $0x7F, v8  }
0xa0: {  	v4 =	vld.idx.msk [tilespmem:v6+s29+$0x0], $0xffff;
	v6 =	vadd.s32 s16, v0;
	v8 =	vor.u32 v3, v5  }
0xa1: {  	s15 =	simm.s32 $0x7;
	v5 =	vld.idx.msk [tilespmem:v7+s29+$0x0], $0xffff;
	v6 =	vand.u32 $0x7F, v6  }
0xa2: {  	s12 =	simm.s32 $0x8;
	v15 =	vmul.f32 v11, v10;
	v11 =	vld.idx.msk [tilespmem:v7+s30+$0x0], $0xffff;
	v7 =	vadd.s32 s15, v0;
	v10 =	vor.u32 v3, v6  }
0xa3: {  	v14 =	vimm.f32 $0.0e+00;
	v17 =	vadd.s32 s12, v0;
	v6 =	vld.idx.msk [tilespmem:v16+s29+$0x0], $0xffff;
	v7 =	vand.u32 $0x7F, v7  }
0xa4: {  	s17 =	simm.s32 $0x9;
	v14 =	vadd.f32 v15, v14;
	v15 =	vmul.f32 v13, v12;
	v13 =	vld.idx.msk [tilespmem:v16+s30+$0x0], $0xffff;
	v12 =	vor.u32 v3, v7  }
0xa5: {  	v17 =	vand.u32 $0x7F, v17;
	s15 =	simm.s32 $0x10;
	v16 =	vadd.s32 s17, v0;
	v7 =	vld.idx.msk [tilespmem:v8+s29+$0x0], $0xffff  }
.LBB2_8:
0xa6: {  	p1 =	slt.u32 s15, $0x78;
	v17 =	vor.u32 v3, v17;
	s16 =	sadd.s32 $0x2, s12;
	v14 =	vadd.f32 v15, v14;
	v4 =	vmul.f32 v9, v4;
	v8 =	vld.idx.msk [tilespmem:v8+s30+$0x0], $0xffff  }
0xa7: {  	v9 =	vand.u32 $0x7F, v16;
	v15 =	vadd.s32 s16, v0;
	v16 =	vld.idx.msk [tilespmem:v10+s29+$0x0], $0xffff  }
0xa8: {  	v9 =	vor.u32 v3, v9;
	s16 =	sadd.s32 $0x3, s12;
	v5 =	vmul.f32 v11, v5;
	v4 =	vadd.f32 v4, v14;
	v10 =	vld.idx.msk [tilespmem:v10+s30+$0x0], $0xffff  }
0xa9: {  	v11 =	vand.u32 $0x7F, v15;
	v14 =	vadd.s32 s16, v0;
	v15 =	vld.idx.msk [tilespmem:v12+s29+$0x0], $0xffff  }
0xaa: {  	s16 =	sadd.s32 $0x4, s12;
	v11 =	vor.u32 v3, v11;
	v4 =	vadd.f32 v5, v4;
	v5 =	vmul.f32 v13, v6;
	v6 =	vld.idx.msk [tilespmem:v12+s30+$0x0], $0xffff  }
0xab: {  	v13 =	vand.u32 $0x7F, v14;
	v14 =	vadd.s32 s16, v0;
	v12 =	vld.idx.msk [tilespmem:v17+s29+$0x0], $0xffff  }
0xac: {  	s16 =	sadd.s32 $0x5, s12;
	v13 =	vor.u32 v3, v13;
	v17 =	vld.idx.msk [tilespmem:v17+s30+$0x0], $0xffff;
	v4 =	vadd.f32 v5, v4;
	v5 =	vmul.f32 v8, v7  }
0xad: {  	v8 =	vand.u32 $0x7F, v14;
	v14 =	vadd.s32 s16, v0;
	v7 =	vld.idx.msk [tilespmem:v9+s29+$0x0], $0xffff  }
0xae: {  	s16 =	sadd.s32 $0x6, s12;
	v19 =	vor.u32 v3, v8;
	v10 =	vmul.f32 v10, v16;
	v18 =	vld.idx.msk [tilespmem:v9+s30+$0x0], $0xffff;
	v5 =	vadd.f32 v5, v4  }
0xaf: {  	v8 =	vand.u32 $0x7F, v14;
	v14 =	vadd.s32 s16, v0;
	v4 =	vld.idx.msk [tilespmem:v11+s29+$0x0], $0xffff  }
0xb0: {  	s16 =	sadd.s32 $0x7, s12;
	s12 =	smov.u32 s15;
	v8 =	vor.u32 v3, v8;
	v6 =	vmul.f32 v6, v15;
	v9 =	vld.idx.msk [tilespmem:v11+s30+$0x0], $0xffff;
	v16 =	vadd.f32 v10, v5  }
.Ltmp2:
0xb1: {  	v10 =	vand.u32 $0x7F, v14;
	v14 =	vadd.s32 s16, v0;
	v5 =	vld.idx.msk [tilespmem:v13+s29+$0x0], $0xffff;
	(pc) =	sbr.rel @p1 .LBB2_8-.Ltmp2, $4  }
0xb2: {  	v12 =	vmul.f32 v17, v12;
	v10 =	vor.u32 v3, v10;
	v11 =	vld.idx.msk [tilespmem:v13+s30+$0x0], $0xffff;
	v13 =	vadd.f32 v6, v16  }
0xb3: {  	v17 =	vand.u32 $0x7F, v14;
	v16 =	vadd.s32 s15, v0;
	v6 =	vld.idx.msk [tilespmem:v19+s29+$0x0], $0xffff  }
0xb4: {  	s16 =	sadd.s32 $0x1, s15;
	v15 =	vmul.f32 v18, v7;
	v14 =	vadd.f32 v12, v13;
	v13 =	vld.idx.msk [tilespmem:v19+s30+$0x0], $0xffff;
	v12 =	vor.u32 v3, v17  }
0xb5: {  	s15 =	sadd.s32 $0x8, s15;
	v17 =	vand.u32 $0x7F, v16;
	v16 =	vadd.s32 s16, v0;
	v7 =	vld.idx.msk [tilespmem:v8+s29+$0x0], $0xffff  }
0xb6: {  	_ =	sdelay $0x2  }
0xb7: {  	v14 =	vadd.f32 v15, v14;
	v4 =	vmul.f32 v9, v4  }
0xb8: {  	v32 =	vor.u32 v3, v17;
	v8 =	vld.idx.msk [tilespmem:v8+s30+$0x0], $0xffff  }
0xb9: {  	s15 =	sadd.s32 $0x2, s12;
	v33 =	vand.u32 $0x7F, v16;
	v34 =	vld.idx.msk [tilespmem:v10+s29+$0x0], $0xffff;
	v5 =	vmul.f32 v11, v5;
	v4 =	vadd.f32 v4, v14  }
0xba: {  	v37 =	vld.idx.msk [tilespmem:v10+s30+$0x0], $0xffff;
	v35 =	vadd.s32 s15, v0;
	v36 =	vor.u32 v3, v33  }
0xbb: {  	s17 =	sadd.s32 $0x3, s12;
	v38 =	vld.idx.msk [tilespmem:v12+s29+$0x0], $0xffff;
	v11 =	vand.u32 $0x7F, v35;
	v39 =	vmul.f32 v13, v6;
	v4 =	vadd.f32 v5, v4  }
0xbc: {  	v41 =	vld.idx.msk [tilespmem:v12+s30+$0x0], $0xffff;
	v40 =	vadd.s32 s17, v0;
	v11 =	vor.u32 v3, v11  }
0xbd: {  	s16 =	sadd.s32 $0x4, s12;
	v6 =	vand.u32 $0x7F, v40;
	v42 =	vld.idx.msk [tilespmem:v32+s29+$0x0], $0xffff;
	v43 =	vmul.f32 v8, v7;
	v4 =	vadd.f32 v39, v4  }
0xbe: {  	v44 =	vadd.s32 s16, v0;
	v6 =	vor.u32 v3, v6;
	v45 =	vld.idx.msk [tilespmem:v32+s30+$0x0], $0xffff  }
0xbf: {  	s17 =	sadd.s32 $0x5, s12;
	v7 =	vand.u32 $0x7F, v44;
	v47 =	vmul.f32 v37, v34;
	v46 =	vld.idx.msk [tilespmem:v36+s29+$0x0], $0xffff;
	v4 =	vadd.f32 v43, v4  }
0xc0: {  	v48 =	vadd.s32 s17, v0;
	v14 =	vld.idx.msk [tilespmem:v36+s30+$0x0], $0xffff;
	v7 =	vor.u32 v3, v7  }
0xc1: {  	s16 =	sadd.s32 $0x6, s12;
	v10 =	vand.u32 $0x7F, v48;
	v50 =	vmul.f32 v41, v38;
	v49 =	vld.idx.msk [tilespmem:v11+s29+$0x0], $0xffff;
	v4 =	vadd.f32 v47, v4  }
0xc2: {  	v51 =	vadd.s32 s16, v0;
	v10 =	vor.u32 v3, v10;
	v11 =	vld.idx.msk [tilespmem:v11+s30+$0x0], $0xffff  }
0xc3: {  	s17 =	sadd.s32 $0x7, s12;
	v12 =	vand.u32 $0x7F, v51;
	v52 =	vld.idx.msk [tilespmem:v6+s29+$0x0], $0xffff;
	v8 =	vmul.f32 v45, v42;
	v4 =	vadd.f32 v50, v4  }
0xc4: {  	v53 =	vadd.s32 s17, v0;
	v12 =	vor.u32 v3, v12;
	v6 =	vld.idx.msk [tilespmem:v6+s30+$0x0], $0xffff  }
0xc5: {  	v5 =	vand.u32 $0x7F, v53;
	v54 =	vld.idx.msk [tilespmem:v7+s29+$0x0], $0xffff;
	v55 =	vmul.f32 v14, v46;
	v4 =	vadd.f32 v8, v4  }
0xc6: {  	v3 =	vor.u32 v3, v5;
	v7 =	vld.idx.msk [tilespmem:v7+s30+$0x0], $0xffff  }
0xc7: {  	v56 =	vld.idx.msk [tilespmem:v10+s29+$0x0], $0xffff;
	v57 =	vmul.f32 v11, v49;
	v4 =	vadd.f32 v55, v4  }
0xc8: {  	v58 =	vld.idx.msk [tilespmem:v10+s30+$0x0], $0xffff  }
0xc9: {  	v59 =	vld.idx.msk [tilespmem:v12+s29+$0x0], $0xffff;
	v6 =	vmul.f32 v6, v52;
	v4 =	vadd.f32 v57, v4  }
0xca: {  	v60 =	vld.idx.msk [tilespmem:v12+s30+$0x0], $0xffff  }
0xcb: {  	v61 =	vld.idx.msk [tilespmem:v3+s29+$0x0], $0xffff;
	v62 =	vmul.f32 v7, v54;
	v4 =	vadd.f32 v6, v4  }
0xcc: {  	v3 =	vld.idx.msk [tilespmem:v3+s30+$0x0], $0xffff  }
0xcd: {  	v5 =	vmul.f32 v58, v56;
	v4 =	vadd.f32 v62, v4;
	_ =	sdelay $0x1  }
0xce: {  	s9 =	sadd.s32 $0x1, s9;
	v63 =	vmul.f32 v60, v59;
	v4 =	vadd.f32 v5, v4  }
0xcf: {  	p1 =	sne.s32 s9, $0x4  }
.Ltmp3:
0xd0: {  	v3 =	vmul.f32 v3, v61;
	v4 =	vadd.f32 v63, v4;
	(pc) =	sbr.rel @p1 .LBB2_7-.Ltmp3, $3  }
0xd1: {  	_ = 	snop  }
0xd2: {  	v3 =	vadd.f32 v3, v4;
	_ =	sdelay $0x1  }
0xd3: {  	[tilespmem:v2+s11+$0x0 ss:$0x1] =	vst.idx.msk $0xffff, v3  }
0xd4: {  	p1 =	seq.s32 s6, $0x4D  }
0xd5: {  	s8 =	sadd.s32 @!p1 s8, s14  }
0xd6: {  	s8 =	sshrl.u32 @!p1 s8, $0x3  }
0xd7: {  	s10 =	simm.s32 @!p1 $0x0;
	s11 =	simm.s32 @!p1 $0x100;
	s9 =	sadd.s32 @!p1 s1, s8  }
0xd8: {  	[tilespmem:s11], [sflag:$0x2] =	stream.linear.gather @!p1 [hbm4b:s9+s10], $0x40, $0x38;
	[tilespmem:$0x1E200] =	vst v63  }
0xd9: {  	s8 =	sadd.s32 @!p1 s2, s8;
	s9 =	simm.s32 @!p1 $0x180  }
0xda: {  	[tilespmem:s9], [sflag:$0x2] =	stream.linear.gather @!p1 [hbm4b:s8+s10], $0x40, $0x38;
	[tilespmem:$0x1E200] =	vst v63  }
0xdb: {  	_ =	swait.ge [sflag:s23], $0x40  }
0xdc: {  	[sflag:s23] =	ssyncset.done $0x0  }
0xdd: {  	s6 =	sadd.s32 $0x1, s6;
	[sflag:s23] =	ssyncadd.s32 $0xFFFFFFC0  }
0xde: {  	p1 =	sne.s32 s6, $0x4E;
	_ =	swait.ge [sflag:s23], $0x40  }
.Ltmp4:
0xdf: {  	[sflag:s23] =	ssyncset.done $0x0;
	(pc) =	sbr.rel @p1 .LBB2_2-.Ltmp4, $4  }
0xe0: {  	[sflag:s23] =	ssyncadd.s32 $0xFFFFFFC0  }
0xe1: {  	[tilespmem:s25], [sflag:$0x3] =	stream.indirect.gather [spmem:s3], $0x80, s4, s24, $0xb8;
	[tilespmem:$0x1E200] =	vst v63  }
0xe2: {  	_ = 	snop  }
0xe3: {  	[tilespmem:s26], [sflag:$0x3] =	stream.indirect.gather [spmem:s3], $0x80, s20, s24, $0xb8;
	[tilespmem:$0x1E200] =	vst v63  }
0xe4: {  	_ =	swait.ge [sflag:s31], $0x2000  }
0xe5: {  	[sflag:s31] =	ssyncset.done $0x0  }
0xe6: {  	[sflag:s31] =	ssyncadd.s32 $0xFFFFE000  }
0xe7: {  	_ =	swait.ge [sflag:s31], $0x2000  }
0xe8: {  	[sflag:s31] =	ssyncset.done $0x0  }
0xe9: {  	s6 =	simm.s32 $0x0;
	s8 =	simm.s32 $0x0;
	[sflag:s31] =	ssyncadd.s32 $0xFFFFE000  }
.LBB2_12:
0xea: {  	s9 =	sshll.u32 s8, $0x4  }
0xeb: {  	v2 =	vmov s9  }
0xec: {  	v3 =	vadd.s32 s6, v0;
	v2 =	vshll.u32 v2, $0x7  }
0xed: {  	s10 =	simm.s32 $0x1;
	v3 =	vand.u32 $0x7F, v3;
	v2 =	vor.u32 v1, v2  }
0xee: {  	v4 =	vadd.s32 s10, v0;
	v3 =	vor.u32 v2, v3  }
0xef: {  	s17 =	simm.s32 $0x2;
	v4 =	vand.u32 $0x7F, v4  }
0xf0: {  	v5 =	vadd.s32 s17, v0;
	v4 =	vor.u32 v2, v4  }
0xf1: {  	s11 =	simm.s32 $0x3;
	v5 =	vand.u32 $0x7F, v5  }
0xf2: {  	v6 =	vadd.s32 s11, v0;
	v5 =	vor.u32 v2, v5  }
0xf3: {  	s12 =	simm.s32 $0x4;
	v6 =	vand.u32 $0x7F, v6;
	v9 =	vld.idx.msk [tilespmem:v3+s25+$0x0], $0xffff  }
0xf4: {  	v7 =	vadd.s32 s12, v0;
	v6 =	vor.u32 v2, v6;
	v10 =	vld.idx.msk [tilespmem:v3+s26+$0x0], $0xffff  }
0xf5: {  	s15 =	simm.s32 $0x5;
	v11 =	vld.idx.msk [tilespmem:v4+s25+$0x0], $0xffff;
	v3 =	vand.u32 $0x7F, v7  }
0xf6: {  	v7 =	vadd.s32 s15, v0;
	v12 =	vld.idx.msk [tilespmem:v4+s26+$0x0], $0xffff;
	v15 =	vor.u32 v2, v3  }
0xf7: {  	s16 =	simm.s32 $0x6;
	v8 =	vld.idx.msk [tilespmem:v5+s26+$0x0], $0xffff;
	v4 =	vand.u32 $0x7F, v7  }
0xf8: {  	v3 =	vld.idx.msk [tilespmem:v5+s25+$0x0], $0xffff;
	v5 =	vadd.s32 s16, v0;
	v7 =	vor.u32 v2, v4  }
0xf9: {  	s11 =	simm.s32 $0x7;
	v4 =	vld.idx.msk [tilespmem:v6+s25+$0x0], $0xffff;
	v5 =	vand.u32 $0x7F, v5  }
0xfa: {  	s10 =	simm.s32 $0x8;
	v14 =	vmul.f32 v10, v9;
	v10 =	vld.idx.msk [tilespmem:v6+s26+$0x0], $0xffff;
	v6 =	vadd.s32 s11, v0;
	v9 =	vor.u32 v2, v5  }
0xfb: {  	v13 =	vimm.f32 $0.0e+00;
	v16 =	vadd.s32 s10, v0;
	v5 =	vld.idx.msk [tilespmem:v15+s25+$0x0], $0xffff;
	v6 =	vand.u32 $0x7F, v6  }
0xfc: {  	s17 =	simm.s32 $0x9;
	v13 =	vadd.f32 v14, v13;
	v14 =	vmul.f32 v12, v11;
	v12 =	vld.idx.msk [tilespmem:v15+s26+$0x0], $0xffff;
	v11 =	vor.u32 v2, v6  }
0xfd: {  	v16 =	vand.u32 $0x7F, v16;
	s11 =	simm.s32 $0x10;
	v15 =	vadd.s32 s17, v0;
	v6 =	vld.idx.msk [tilespmem:v7+s25+$0x0], $0xffff  }
.LBB2_13:
0xfe: {  	p1 =	slt.u32 s11, $0x78;
	v16 =	vor.u32 v2, v16;
	s12 =	sadd.s32 $0x2, s10;
	v13 =	vadd.f32 v14, v13;
	v3 =	vmul.f32 v8, v3;
	v7 =	vld.idx.msk [tilespmem:v7+s26+$0x0], $0xffff  }
0xff: {  	v8 =	vand.u32 $0x7F, v15;
	v14 =	vadd.s32 s12, v0;
	v15 =	vld.idx.msk [tilespmem:v9+s25+$0x0], $0xffff  }
0x100: {  	v8 =	vor.u32 v2, v8;
	s12 =	sadd.s32 $0x3, s10;
	v4 =	vmul.f32 v10, v4;
	v3 =	vadd.f32 v3, v13;
	v9 =	vld.idx.msk [tilespmem:v9+s26+$0x0], $0xffff  }
0x101: {  	v10 =	vand.u32 $0x7F, v14;
	v13 =	vadd.s32 s12, v0;
	v14 =	vld.idx.msk [tilespmem:v11+s25+$0x0], $0xffff  }
0x102: {  	s12 =	sadd.s32 $0x4, s10;
	v10 =	vor.u32 v2, v10;
	v3 =	vadd.f32 v4, v3;
	v4 =	vmul.f32 v12, v5;
	v5 =	vld.idx.msk [tilespmem:v11+s26+$0x0], $0xffff  }
0x103: {  	v12 =	vand.u32 $0x7F, v13;
	v13 =	vadd.s32 s12, v0;
	v11 =	vld.idx.msk [tilespmem:v16+s25+$0x0], $0xffff  }
0x104: {  	s12 =	sadd.s32 $0x5, s10;
	v12 =	vor.u32 v2, v12;
	v16 =	vld.idx.msk [tilespmem:v16+s26+$0x0], $0xffff;
	v3 =	vadd.f32 v4, v3;
	v4 =	vmul.f32 v7, v6  }
0x105: {  	v7 =	vand.u32 $0x7F, v13;
	v13 =	vadd.s32 s12, v0;
	v6 =	vld.idx.msk [tilespmem:v8+s25+$0x0], $0xffff  }
0x106: {  	s12 =	sadd.s32 $0x6, s10;
	v18 =	vor.u32 v2, v7;
	v9 =	vmul.f32 v9, v15;
	v17 =	vld.idx.msk [tilespmem:v8+s26+$0x0], $0xffff;
	v4 =	vadd.f32 v4, v3  }
0x107: {  	v7 =	vand.u32 $0x7F, v13;
	v13 =	vadd.s32 s12, v0;
	v3 =	vld.idx.msk [tilespmem:v10+s25+$0x0], $0xffff  }
0x108: {  	s12 =	sadd.s32 $0x7, s10;
	s10 =	smov.u32 s11;
	v7 =	vor.u32 v2, v7;
	v5 =	vmul.f32 v5, v14;
	v8 =	vld.idx.msk [tilespmem:v10+s26+$0x0], $0xffff;
	v15 =	vadd.f32 v9, v4  }
.Ltmp5:
0x109: {  	v9 =	vand.u32 $0x7F, v13;
	v13 =	vadd.s32 s12, v0;
	v4 =	vld.idx.msk [tilespmem:v12+s25+$0x0], $0xffff;
	(pc) =	sbr.rel @p1 .LBB2_13-.Ltmp5, $4  }
0x10a: {  	v11 =	vmul.f32 v16, v11;
	v9 =	vor.u32 v2, v9;
	v10 =	vld.idx.msk [tilespmem:v12+s26+$0x0], $0xffff;
	v12 =	vadd.f32 v5, v15  }
0x10b: {  	v16 =	vand.u32 $0x7F, v13;
	v15 =	vadd.s32 s11, v0;
	v5 =	vld.idx.msk [tilespmem:v18+s25+$0x0], $0xffff  }
0x10c: {  	s12 =	sadd.s32 $0x1, s11;
	v14 =	vmul.f32 v17, v6;
	v13 =	vadd.f32 v11, v12;
	v12 =	vld.idx.msk [tilespmem:v18+s26+$0x0], $0xffff;
	v11 =	vor.u32 v2, v16  }
0x10d: {  	s11 =	sadd.s32 $0x8, s11;
	v16 =	vand.u32 $0x7F, v15;
	v15 =	vadd.s32 s12, v0;
	v6 =	vld.idx.msk [tilespmem:v7+s25+$0x0], $0xffff  }
0x10e: {  	_ =	sdelay $0x2  }
0x10f: {  	v13 =	vadd.f32 v14, v13;
	v3 =	vmul.f32 v8, v3  }
0x110: {  	v32 =	vor.u32 v2, v16;
	v7 =	vld.idx.msk [tilespmem:v7+s26+$0x0], $0xffff  }
0x111: {  	s11 =	sadd.s32 $0x2, s10;
	v33 =	vand.u32 $0x7F, v15;
	v34 =	vld.idx.msk [tilespmem:v9+s25+$0x0], $0xffff;
	v4 =	vmul.f32 v10, v4;
	v3 =	vadd.f32 v3, v13  }
0x112: {  	v37 =	vld.idx.msk [tilespmem:v9+s26+$0x0], $0xffff;
	v35 =	vadd.s32 s11, v0;
	v36 =	vor.u32 v2, v33  }
0x113: {  	s17 =	sadd.s32 $0x3, s10;
	v38 =	vld.idx.msk [tilespmem:v11+s25+$0x0], $0xffff;
	v10 =	vand.u32 $0x7F, v35;
	v39 =	vmul.f32 v12, v5;
	v3 =	vadd.f32 v4, v3  }
0x114: {  	v41 =	vld.idx.msk [tilespmem:v11+s26+$0x0], $0xffff;
	v40 =	vadd.s32 s17, v0;
	v10 =	vor.u32 v2, v10  }
0x115: {  	s12 =	sadd.s32 $0x4, s10;
	v5 =	vand.u32 $0x7F, v40;
	v42 =	vld.idx.msk [tilespmem:v32+s25+$0x0], $0xffff;
	v43 =	vmul.f32 v7, v6;
	v3 =	vadd.f32 v39, v3  }
0x116: {  	v44 =	vadd.s32 s12, v0;
	v5 =	vor.u32 v2, v5;
	v45 =	vld.idx.msk [tilespmem:v32+s26+$0x0], $0xffff  }
0x117: {  	s15 =	sadd.s32 $0x5, s10;
	v6 =	vand.u32 $0x7F, v44;
	v47 =	vmul.f32 v37, v34;
	v46 =	vld.idx.msk [tilespmem:v36+s25+$0x0], $0xffff;
	v3 =	vadd.f32 v43, v3  }
0x118: {  	v48 =	vadd.s32 s15, v0;
	v13 =	vld.idx.msk [tilespmem:v36+s26+$0x0], $0xffff;
	v6 =	vor.u32 v2, v6  }
0x119: {  	s16 =	sadd.s32 $0x6, s10;
	v9 =	vand.u32 $0x7F, v48;
	v50 =	vmul.f32 v41, v38;
	v49 =	vld.idx.msk [tilespmem:v10+s25+$0x0], $0xffff;
	v3 =	vadd.f32 v47, v3  }
0x11a: {  	v51 =	vadd.s32 s16, v0;
	v9 =	vor.u32 v2, v9;
	v10 =	vld.idx.msk [tilespmem:v10+s26+$0x0], $0xffff  }
0x11b: {  	s17 =	sadd.s32 $0x7, s10;
	v11 =	vand.u32 $0x7F, v51;
	v52 =	vld.idx.msk [tilespmem:v5+s25+$0x0], $0xffff;
	v7 =	vmul.f32 v45, v42;
	v3 =	vadd.f32 v50, v3  }
0x11c: {  	v53 =	vadd.s32 s17, v0;
	v11 =	vor.u32 v2, v11;
	v5 =	vld.idx.msk [tilespmem:v5+s26+$0x0], $0xffff  }
0x11d: {  	v4 =	vand.u32 $0x7F, v53;
	v54 =	vld.idx.msk [tilespmem:v6+s25+$0x0], $0xffff;
	v55 =	vmul.f32 v13, v46;
	v3 =	vadd.f32 v7, v3  }
0x11e: {  	v2 =	vor.u32 v2, v4;
	v6 =	vld.idx.msk [tilespmem:v6+s26+$0x0], $0xffff  }
0x11f: {  	v56 =	vld.idx.msk [tilespmem:v9+s25+$0x0], $0xffff;
	v57 =	vmul.f32 v10, v49;
	v3 =	vadd.f32 v55, v3  }
0x120: {  	v58 =	vld.idx.msk [tilespmem:v9+s26+$0x0], $0xffff  }
0x121: {  	v59 =	vld.idx.msk [tilespmem:v11+s25+$0x0], $0xffff;
	v5 =	vmul.f32 v5, v52;
	v3 =	vadd.f32 v57, v3  }
0x122: {  	v60 =	vld.idx.msk [tilespmem:v11+s26+$0x0], $0xffff  }
0x123: {  	v61 =	vld.idx.msk [tilespmem:v2+s25+$0x0], $0xffff;
	v62 =	vmul.f32 v6, v54;
	v3 =	vadd.f32 v5, v3  }
0x124: {  	v2 =	vld.idx.msk [tilespmem:v2+s26+$0x0], $0xffff  }
0x125: {  	v4 =	vmul.f32 v58, v56;
	v3 =	vadd.f32 v62, v3;
	_ =	sdelay $0x1  }
0x126: {  	s8 =	sadd.s32 $0x1, s8;
	v63 =	vmul.f32 v60, v59;
	v3 =	vadd.f32 v4, v3  }
0x127: {  	p1 =	sne.s32 s8, $0x4  }
.Ltmp6:
0x128: {  	v2 =	vmul.f32 v2, v61;
	v3 =	vadd.f32 v63, v3;
	(pc) =	sbr.rel @p1 .LBB2_12-.Ltmp6, $3  }
0x129: {  	_ = 	snop  }
0x12a: {  	v2 =	vadd.f32 v2, v3;
	_ =	sdelay $0x1  }
0x12b: {  	[tilespmem:s9+$0xA900] =	vst v2  }
0x12c: {  	s6 =	rddreg [dreg:$0xc];
	s8 =	simm.s32 $0x8200  }
0x12d: {  	[hbm4b:s6+s4] =	stream.linear.scatter [tilespmem:s8], [sflag:$0x5], $0x2710, $0x38;
	[tilespmem:$0x1E200] =	vst v63  }
0x12e: {  	_ =	swait.ge [sflag:s18], $0x2710  }
0x12f: {  	s5 =	sadd.s32 $0x1, s5;
	s17 =	rddreg [dreg:$0xd]  }
0x130: {  	p1 =	sne.s32 s5, s17  }
.Ltmp7:
0x131: {  	_ = 	snop;
	(pc) =	sbr.rel @p1 .LBB2_1-.Ltmp7, $3  }
0x132: {  	_ =	sdelay $0x1  }
0x133: {  	[sflag:s18] =	ssyncset.done $0x0  }
0x134: {  	[sflag:s18] =	ssyncadd.s32 $0xFFFFD8F0  }
0x135: {  	_ =	sfence.sel $0x180000  }
0x136: {  	[bflag:$0x0] =	sbarrier.arrive $0xFFFF  }
0x137: {  	_ =	strace $0x90000047  }
0x138: {  	s0 =	stileid.u32;
	[bflag:$0x2] =	sbarrier.arrive $0xFFFF  }
0x139: {  	p0 =	sne.s32 s0, $0x0;
	s0 =	rddreg [dreg:$0x5]  }
0x13a: {  	s0 =	sadd.s32 @!p0 $0x100000, s0  }
0x13b: {  	[sflag:s0] =	ssyncadd.tile.s32 @!p0 $0x1;
	_ =	shalt  }
.Lfunc_end2:
_tile_overlayer_lowered:
.L_overlay_start_2:
0x13c: {  	(tag) =	ssettag $0x2  }
0x13d: {  	s0 =	rddreg [dreg:$0x0];
	s2 =	stileid.u32  }
0x13e: {  	s1 =	rddreg [dreg:$0x1];
	p0 =	sne.s32 s2, $0x0  }
0x13f: {  	s3 =	rddreg [dreg:$0x2];
	[bflag:$0x3] =	sbarrier.arrive $0xFFFF;
	s2 =	simm.s32 @!p0 $0x1C05  }
0x140: {  	[timem:s3], [sflag:s2] =	dma.local @!p0 [hbm:s0], s1  }
0x141: {  	s0 =	simm.s32 @!p0 $0x5  }
0x142: {  	_ =	swait.ge @!p0 [sflag:s0], s1  }
0x143: {  	s1 =	ssub.s32 @!p0 $0x0, s1;
	[sflag:s0] =	ssyncset.done @!p0 $0x0  }
0x144: {  	[sflag:s0] =	ssyncadd.s32 @!p0 s1  }
0x145: {  	[bflag:$0x3] =	sbarrier.arrive $0xFFFF  }
0x146: {  	_ =	shalt  }

</sc_bundles>
